<compile_context>
chip_gen: v7x
topology: tpu7x:2x2x1
jax: 0.10.2.dev20260603
libtpu: 0.0.44.dev20260713+nightly
codegen_flags: <defaults>
</compile_context>

<pallas_src>
import functools

import jax
import jax.numpy as jnp
from jax import lax
from jax.experimental import pallas as pl
from jax.experimental.pallas import tpu as pltpu
from jax.experimental.pallas import tpu_sc as plsc

NUM_CLASSES = 1000
NUM_REL = 128
N_BOXES = 4096
N_PAIRS = 131072

NC = 2
NS = 16
L = 16
NW = NC * NS
PAIRS_PER_W = N_PAIRS // NW
CHUNK = 128
N_CHUNKS = PAIRS_PER_W // CHUNK
KGRP = NUM_REL // L
NWORD = NUM_REL // 2
HGRP = NWORD // L
BOX_PER_S = N_BOXES // NS
GROWS = 2 * CHUNK


def _pack_table(tab):
    t = tab.astype(jnp.bfloat16).reshape(NUM_CLASSES, HGRP, 2, L)
    t = t.transpose(0, 1, 3, 2)
    return lax.bitcast_convert_type(t, jnp.int32).reshape(
        NUM_CLASSES, NWORD)


def _sc_prior(labels, catidx, subp, objp):
    mesh = plsc.VectorSubcoreMesh(core_axis_name="c", subcore_axis_name="s")

    @functools.partial(
        pl.kernel,
        mesh=mesh,
        compiler_params=pltpu.CompilerParams(
            needs_layout_passes=False, use_tc_tiling_on_sc=False),
        out_type=jax.ShapeDtypeStruct((N_PAIRS, NUM_REL), jnp.float32),
        scratch_types=[
            pltpu.VMEM_SHARED((2 * N_BOXES, NWORD), jnp.int32),
            pltpu.VMEM((N_BOXES,), jnp.int32),
            pltpu.VMEM((N_CHUNKS, GROWS), jnp.int32),
            pltpu.VMEM((GROWS, NWORD), jnp.int32),
            pltpu.VMEM((GROWS, NWORD), jnp.int32),
            pltpu.VMEM((CHUNK, NUM_REL), jnp.float32),
            pltpu.VMEM((CHUNK, NUM_REL), jnp.float32),
            pltpu.SemaphoreType.DMA,
            pltpu.SemaphoreType.DMA,
            pltpu.SemaphoreType.DMA,
            pltpu.SemaphoreType.DMA,
        ],
    )
    def k(labels_hbm, catidx_hbm, subd_hbm, objd_hbm, out_hbm,
          boxcat_sh, labels_v, catidx_v, g0, g1, prod0, prod1,
          sem_g0, sem_g1, sem_o0, sem_o1):
        sid = lax.axis_index("s")
        wid = sid * NC + lax.axis_index("c")
        base = wid * PAIRS_PER_W

        pltpu.sync_copy(labels_hbm, labels_v)

        bbase = sid * BOX_PER_S
        for half in range(BOX_PER_S // CHUNK):
            hb = bbase + half * CHUNK
            pltpu.async_copy(
                subd_hbm.at[labels_v.at[pl.ds(hb, CHUNK)]],
                g0.at[pl.ds(0, CHUNK)], sem_g0)
            pltpu.async_copy(
                objd_hbm.at[labels_v.at[pl.ds(hb, CHUNK)]],
                g0.at[pl.ds(CHUNK, CHUNK)], sem_g0)
            pltpu.make_async_copy(
                subd_hbm.at[labels_v.at[pl.ds(hb, CHUNK)]],
                g0.at[pl.ds(0, CHUNK)], sem_g0).wait()
            pltpu.make_async_copy(
                objd_hbm.at[labels_v.at[pl.ds(hb, CHUNK)]],
                g0.at[pl.ds(CHUNK, CHUNK)], sem_g0).wait()
            pltpu.sync_copy(g0.at[pl.ds(0, CHUNK)],
                            boxcat_sh.at[pl.ds(hb, CHUNK)])
            pltpu.sync_copy(g0.at[pl.ds(CHUNK, CHUNK)],
                            boxcat_sh.at[pl.ds(N_BOXES + hb, CHUNK)])

        pltpu.sync_copy(catidx_hbm.at[pl.ds(wid * N_CHUNKS, N_CHUNKS)],
                        catidx_v)
        plsc.subcore_barrier()

        bufs = (
            (g0, prod0, sem_g0, sem_o0),
            (g1, prod1, sem_g1, sem_o1),
        )

        def start_gather(c, g, sem):
            pltpu.async_copy(boxcat_sh.at[catidx_v.at[c]], g, sem)

        def wait_gather(c, g, sem):
            pltpu.make_async_copy(
                boxcat_sh.at[catidx_v.at[c]], g, sem).wait()

        for b in range(2):
            start_gather(b, bufs[b][0], bufs[b][2])

        def pair_body(j, carry):
            for b in range(2):
                c = 2 * j + b
                g, prod, sem_g, sem_o = bufs[b]
                wait_gather(c, g, sem_g)

                @pl.when(j > 0)
                def _():
                    pltpu.make_async_copy(
                        prod, out_hbm.at[pl.ds(base, CHUNK)], sem_o).wait()

                @plsc.parallel_loop(0, CHUNK, unroll=4)
                def row_body(r):
                    ps = []
                    acc = None
                    for h in range(HGRP):
                        sw = g[r, pl.ds(h * L, L)]
                        ow = g[r + CHUNK, pl.ds(h * L, L)]
                        sp = (plsc.bitcast(sw, jnp.bfloat16)
                              * plsc.bitcast(ow, jnp.bfloat16))
                        p0, p1 = plsc.unpack(
                            sp, format=plsc.PackFormat.INTERLEAVED)
                        ps.append(p0)
                        ps.append(p1)
                        acc = p0 if acc is None else acc + p0
                        acc = acc + p1
                    norm = jnp.sum(acc)
                    normv = jnp.broadcast_to(norm, (L,))
                    normv = jnp.maximum(
                        normv, jnp.full((L,), 1e-12, jnp.float32))
                    invv = jnp.full((L,), 1.0, jnp.float32) / normv
                    for gi in range(KGRP):
                        prod[r, pl.ds(gi * L, L)] = ps[gi] * invv

                pltpu.async_copy(
                    prod, out_hbm.at[pl.ds(base + c * CHUNK, CHUNK)], sem_o)

                @pl.when(c + 2 < N_CHUNKS)
                def _():
                    start_gather(c + 2, g, sem_g)

            return carry

        lax.fori_loop(0, N_CHUNKS // 2, pair_body, 0)

        for b in range(2):
            prod, sem_o = bufs[b][1], bufs[b][3]
            pltpu.make_async_copy(
                prod, out_hbm.at[pl.ds(base, CHUNK)], sem_o).wait()

    return k(labels, catidx, subp, objp)


def kernel(labels, rel_pair_idx, sub_distribution, obj_distribution):
    subbox = rel_pair_idx[:, 0].reshape(N_PAIRS // CHUNK, CHUNK)
    objbox = rel_pair_idx[:, 1].reshape(N_PAIRS // CHUNK, CHUNK)
    catidx = jnp.concatenate([subbox, objbox + N_BOXES], axis=1)
    return _sc_prior(labels, catidx,
                     _pack_table(sub_distribution),
                     _pack_table(obj_distribution))

# --- scband reference (transcript-rebuilt; emitter-appended) ---
"""Pipeline reference for scband-make-prior-distribution-29772713295902 (READ-ONLY COPY).

The authoritative reference and input builder live on the scoring server;
editing this copy changes nothing except your own understanding.
"""

import jax, jax.numpy as jnp
import numpy as np

NUM_CLASSES = 1000
NUM_REL = 128
N_BOXES = 4096
N_PAIRS = 131072


def setup_inputs(seed: int = 0) -> dict:
    key = jax.random.key(seed)
    k1, k2, k3, k4 = jax.random.split(key, 4)
    labels = jax.random.randint(k1, (N_BOXES,), 0, NUM_CLASSES, dtype=jnp.int32)
    rel_pair_idx = jax.random.randint(k2, (N_PAIRS, 2), 0, N_BOXES, dtype=jnp.int32)
    sub_distribution = jax.random.uniform(k3, (NUM_CLASSES, NUM_REL), dtype=jnp.float32)
    obj_distribution = jax.random.uniform(k4, (NUM_CLASSES, NUM_REL), dtype=jnp.float32)
    return {
        'labels': labels,
        'rel_pair_idx': rel_pair_idx,
        'sub_distribution': sub_distribution,
        'obj_distribution': obj_distribution,
    }


def reference(labels, rel_pair_idx, sub_distribution, obj_distribution):
    # predcls mode: gather labels at pair endpoints, then gather distribution rows
    sub_lab = jnp.take(labels, rel_pair_idx[:, 0], axis=0)
    obj_lab = jnp.take(labels, rel_pair_idx[:, 1], axis=0)
    prior = jnp.take(sub_distribution, sub_lab, axis=0) * jnp.take(obj_distribution, obj_lab, axis=0)
    # torch F.normalize(prior, p=1, dim=1): x / clamp_min(||x||_1, 1e-12)
    norm = jnp.sum(jnp.abs(prior), axis=1, keepdims=True)
    prior = prior / jnp.maximum(norm, 1e-12)
    return prior

if __name__ == "__main__":
    import jax
    _d = setup_inputs()
    print(jax.jit(kernel)(*tuple(_d.values())))

</pallas_src>

<mosaic_0001>
#map = affine_map<(d0, d1) -> (0)>
#map1 = affine_map<(d0, d1) -> (0, 0)>
module attributes {stable_mosaic.version = 14 : i64} {
  func.func @k(%arg0: i32, %arg1: i32, %arg2: memref<4096xi32, #tpu.memory_space<hbm>>, %arg3: memref<1024x256xi32, #tpu.memory_space<hbm>>, %arg4: memref<1000x64xi32, #tpu.memory_space<hbm>>, %arg5: memref<1000x64xi32, #tpu.memory_space<hbm>>, %arg6: memref<131072x128xf32, #tpu.memory_space<hbm>>, %arg7: memref<8192x64xi32, #tpu.memory_space<vmem_shared>>, %arg8: memref<4096xi32, #tpu.memory_space<vmem>>, %arg9: memref<32x256xi32, #tpu.memory_space<vmem>>, %arg10: memref<256x64xi32, #tpu.memory_space<vmem>>, %arg11: memref<256x64xi32, #tpu.memory_space<vmem>>, %arg12: memref<128x128xf32, #tpu.memory_space<vmem>>, %arg13: memref<128x128xf32, #tpu.memory_space<vmem>>, %arg14: memref<!tpu.dma_semaphore, #tpu.memory_space<semaphore_mem>>, %arg15: memref<!tpu.dma_semaphore, #tpu.memory_space<semaphore_mem>>, %arg16: memref<!tpu.dma_semaphore, #tpu.memory_space<semaphore_mem>>, %arg17: memref<!tpu.dma_semaphore, #tpu.memory_space<semaphore_mem>>) attributes {dimension_semantics = [#tpu.dimension_semantics<core_parallel>, #tpu.dimension_semantics<subcore_parallel>], iteration_bounds = array<i64: 2, 16>, scalar_prefetch = 0 : i64, scratch_operands = 11 : i64, tpu.core_type = #tpu.core_type<sc_vector_subcore>, window_params = [{transform_indices = #map}, {transform_indices = #map1}, {transform_indices = #map1}, {transform_indices = #map1}, {transform_indices = #map1}]} {
    %mul3A = arith.constant 2 : i32
    %mul3A_0 = arith.muli %arg1, %mul3A : i32
    %add3A = arith.addi %mul3A_0, %arg0 : i32
    %mul3A_1 = arith.constant 4096 : i32
    %mul3A_2 = arith.muli %add3A, %mul3A_1 : i32
    "tpu.region"() ({
      %run_scoped3A = tpu.sem_alloc : memref<!tpu.dma_semaphore, #tpu.memory_space<semaphore_mem>>
      tpu.enqueue_dma source(%arg2 : memref<4096xi32, #tpu.memory_space<hbm>>) target(%arg8 : memref<4096xi32, #tpu.memory_space<vmem>>) target_semaphore(%run_scoped3A : memref<!tpu.dma_semaphore, #tpu.memory_space<semaphore_mem>>)
      tpu.wait_dma2 semaphore(%run_scoped3A : memref<!tpu.dma_semaphore, #tpu.memory_space<semaphore_mem>>) src(%arg2 : memref<4096xi32, #tpu.memory_space<hbm>>) dst(%arg8 : memref<4096xi32, #tpu.memory_space<vmem>>)
      tpu.yield
    }) : () -> ()
    %mul3A_3 = arith.constant 256 : i32
    %mul3A_4 = arith.muli %arg1, %mul3A_3 : i32
    %add3A_5 = arith.constant 0 : i32
    %add3A_6 = arith.addi %mul3A_4, %add3A_5 : i32
    %dma_start3A = arith.constant 0 : i32
    %dma_start3A_7 = arith.constant 0 : i32
    %dma_start3A_8 = tpu.memref_slice %arg10[%dma_start3A, %dma_start3A_7] : memref<256x64xi32, #tpu.memory_space<vmem>> -> memref<128x64xi32, #tpu.memory_space<vmem>>
    %dma_start3A_9 = tpu.memref_slice %arg8[%add3A_6] : memref<4096xi32, #tpu.memory_space<vmem>> -> memref<128xi32, #tpu.memory_space<vmem>>
    %dma_start3A_10 = arith.constant 0 : i32
    %dma_start3A_11 = arith.constant 0 : i32
    %dma_start3A_12 = tpu.memref_slice %arg4[%dma_start3A_10, %dma_start3A_11] : memref<1000x64xi32, #tpu.memory_space<hbm>> -> memref<1000x64xi32, #tpu.memory_space<hbm>>
    tpu.enqueue_indirect_dma source(%dma_start3A_12 : memref<1000x64xi32, #tpu.memory_space<hbm>>) target(%dma_start3A_8 : memref<128x64xi32, #tpu.memory_space<vmem>>) offsets(%dma_start3A_9 : memref<128xi32, #tpu.memory_space<vmem>>) semaphore(%arg14 : memref<!tpu.dma_semaphore, #tpu.memory_space<semaphore_mem>>)
    %dma_start3A_13 = arith.constant 128 : i32
    %dma_start3A_14 = arith.constant 0 : i32
    %dma_start3A_15 = tpu.memref_slice %arg10[%dma_start3A_13, %dma_start3A_14] : memref<256x64xi32, #tpu.memory_space<vmem>> -> memref<128x64xi32, #tpu.memory_space<vmem>>
    %dma_start3A_16 = tpu.memref_slice %arg8[%add3A_6] : memref<4096xi32, #tpu.memory_space<vmem>> -> memref<128xi32, #tpu.memory_space<vmem>>
    %dma_start3A_17 = arith.constant 0 : i32
    %dma_start3A_18 = arith.constant 0 : i32
    %dma_start3A_19 = tpu.memref_slice %arg5[%dma_start3A_17, %dma_start3A_18] : memref<1000x64xi32, #tpu.memory_space<hbm>> -> memref<1000x64xi32, #tpu.memory_space<hbm>>
    tpu.enqueue_indirect_dma source(%dma_start3A_19 : memref<1000x64xi32, #tpu.memory_space<hbm>>) target(%dma_start3A_15 : memref<128x64xi32, #tpu.memory_space<vmem>>) offsets(%dma_start3A_16 : memref<128xi32, #tpu.memory_space<vmem>>) semaphore(%arg14 : memref<!tpu.dma_semaphore, #tpu.memory_space<semaphore_mem>>)
    %dma_wait3A = arith.constant 0 : i32
    %dma_wait3A_20 = arith.constant 0 : i32
    %dma_wait3A_21 = tpu.memref_slice %arg10[%dma_wait3A, %dma_wait3A_20] : memref<256x64xi32, #tpu.memory_space<vmem>> -> memref<128x64xi32, #tpu.memory_space<vmem>>
    %dma_wait3A_22 = tpu.memref_slice %arg8[%add3A_6] : memref<4096xi32, #tpu.memory_space<vmem>> -> memref<128xi32, #tpu.memory_space<vmem>>
    %dma_wait3A_23 = arith.constant 0 : i32
    %dma_wait3A_24 = arith.constant 0 : i32
    %dma_wait3A_25 = tpu.memref_slice %arg4[%dma_wait3A_23, %dma_wait3A_24] : memref<1000x64xi32, #tpu.memory_space<hbm>> -> memref<1000x64xi32, #tpu.memory_space<hbm>>
    tpu.wait_indirect_dma semaphore(%arg14 : memref<!tpu.dma_semaphore, #tpu.memory_space<semaphore_mem>>) src(%dma_wait3A_25 : memref<1000x64xi32, #tpu.memory_space<hbm>>) dst(%dma_wait3A_21 : memref<128x64xi32, #tpu.memory_space<vmem>>)
    %dma_wait3A_26 = arith.constant 128 : i32
    %dma_wait3A_27 = arith.constant 0 : i32
    %dma_wait3A_28 = tpu.memref_slice %arg10[%dma_wait3A_26, %dma_wait3A_27] : memref<256x64xi32, #tpu.memory_space<vmem>> -> memref<128x64xi32, #tpu.memory_space<vmem>>
    %dma_wait3A_29 = tpu.memref_slice %arg8[%add3A_6] : memref<4096xi32, #tpu.memory_space<vmem>> -> memref<128xi32, #tpu.memory_space<vmem>>
    %dma_wait3A_30 = arith.constant 0 : i32
    %dma_wait3A_31 = arith.constant 0 : i32
    %dma_wait3A_32 = tpu.memref_slice %arg5[%dma_wait3A_30, %dma_wait3A_31] : memref<1000x64xi32, #tpu.memory_space<hbm>> -> memref<1000x64xi32, #tpu.memory_space<hbm>>
    tpu.wait_indirect_dma semaphore(%arg14 : memref<!tpu.dma_semaphore, #tpu.memory_space<semaphore_mem>>) src(%dma_wait3A_32 : memref<1000x64xi32, #tpu.memory_space<hbm>>) dst(%dma_wait3A_28 : memref<128x64xi32, #tpu.memory_space<vmem>>)
    "tpu.region"() ({
      %run_scoped3A = tpu.sem_alloc : memref<!tpu.dma_semaphore, #tpu.memory_space<semaphore_mem>>
      %dma_start3A_96 = arith.constant 0 : i32
      %dma_start3A_97 = arith.constant 0 : i32
      %dma_start3A_98 = tpu.memref_slice %arg10[%dma_start3A_96, %dma_start3A_97] : memref<256x64xi32, #tpu.memory_space<vmem>> -> memref<128x64xi32, #tpu.memory_space<vmem>>
      %dma_start3A_99 = arith.constant 0 : i32
      %dma_start3A_100 = tpu.memref_slice %arg7[%add3A_6, %dma_start3A_99] : memref<8192x64xi32, #tpu.memory_space<vmem_shared>> -> memref<128x64xi32, #tpu.memory_space<vmem_shared>>
      %dma_start3A_101 = arith.constant 0 : i32
      %dma_start3A_102 = tpu.memref_slice %arg7[%add3A_6, %dma_start3A_101] : memref<8192x64xi32, #tpu.memory_space<vmem_shared>> -> memref<128x64xi32, #tpu.memory_space<vmem_shared>>
      %dma_start3A_103 = arith.constant 0 : i32
      %dma_start3A_104 = arith.constant 0 : i32
      %dma_start3A_105 = tpu.memref_slice %arg10[%dma_start3A_103, %dma_start3A_104] : memref<256x64xi32, #tpu.memory_space<vmem>> -> memref<128x64xi32, #tpu.memory_space<vmem>>
      tpu.enqueue_dma source(%dma_start3A_105 : memref<128x64xi32, #tpu.memory_space<vmem>>) target(%dma_start3A_102 : memref<128x64xi32, #tpu.memory_space<vmem_shared>>) target_semaphore(%run_scoped3A : memref<!tpu.dma_semaphore, #tpu.memory_space<semaphore_mem>>)
      %dma_wait3A_106 = arith.constant 0 : i32
      %dma_wait3A_107 = arith.constant 0 : i32
      %dma_wait3A_108 = tpu.memref_slice %arg10[%dma_wait3A_106, %dma_wait3A_107] : memref<256x64xi32, #tpu.memory_space<vmem>> -> memref<128x64xi32, #tpu.memory_space<vmem>>
      %dma_wait3A_109 = arith.constant 0 : i32
      %dma_wait3A_110 = tpu.memref_slice %arg7[%add3A_6, %dma_wait3A_109] : memref<8192x64xi32, #tpu.memory_space<vmem_shared>> -> memref<128x64xi32, #tpu.memory_space<vmem_shared>>
      %dma_wait3A_111 = arith.constant 0 : i32
      %dma_wait3A_112 = tpu.memref_slice %arg7[%add3A_6, %dma_wait3A_111] : memref<8192x64xi32, #tpu.memory_space<vmem_shared>> -> memref<128x64xi32, #tpu.memory_space<vmem_shared>>
      %dma_wait3A_113 = arith.constant 0 : i32
      %dma_wait3A_114 = arith.constant 0 : i32
      %dma_wait3A_115 = tpu.memref_slice %arg10[%dma_wait3A_113, %dma_wait3A_114] : memref<256x64xi32, #tpu.memory_space<vmem>> -> memref<128x64xi32, #tpu.memory_space<vmem>>
      tpu.wait_dma2 semaphore(%run_scoped3A : memref<!tpu.dma_semaphore, #tpu.memory_space<semaphore_mem>>) src(%dma_wait3A_115 : memref<128x64xi32, #tpu.memory_space<vmem>>) dst(%dma_wait3A_112 : memref<128x64xi32, #tpu.memory_space<vmem_shared>>)
      tpu.yield
    }) : () -> ()
    %add3A_33 = arith.constant 4096 : i32
    %add3A_34 = arith.addi %add3A_33, %add3A_6 : i32
    "tpu.region"() ({
      %run_scoped3A = tpu.sem_alloc : memref<!tpu.dma_semaphore, #tpu.memory_space<semaphore_mem>>
      %dma_start3A_96 = arith.constant 128 : i32
      %dma_start3A_97 = arith.constant 0 : i32
      %dma_start3A_98 = tpu.memref_slice %arg10[%dma_start3A_96, %dma_start3A_97] : memref<256x64xi32, #tpu.memory_space<vmem>> -> memref<128x64xi32, #tpu.memory_space<vmem>>
      %dma_start3A_99 = arith.constant 0 : i32
      %dma_start3A_100 = tpu.memref_slice %arg7[%add3A_34, %dma_start3A_99] : memref<8192x64xi32, #tpu.memory_space<vmem_shared>> -> memref<128x64xi32, #tpu.memory_space<vmem_shared>>
      %dma_start3A_101 = arith.constant 0 : i32
      %dma_start3A_102 = tpu.memref_slice %arg7[%add3A_34, %dma_start3A_101] : memref<8192x64xi32, #tpu.memory_space<vmem_shared>> -> memref<128x64xi32, #tpu.memory_space<vmem_shared>>
      %dma_start3A_103 = arith.constant 128 : i32
      %dma_start3A_104 = arith.constant 0 : i32
      %dma_start3A_105 = tpu.memref_slice %arg10[%dma_start3A_103, %dma_start3A_104] : memref<256x64xi32, #tpu.memory_space<vmem>> -> memref<128x64xi32, #tpu.memory_space<vmem>>
      tpu.enqueue_dma source(%dma_start3A_105 : memref<128x64xi32, #tpu.memory_space<vmem>>) target(%dma_start3A_102 : memref<128x64xi32, #tpu.memory_space<vmem_shared>>) target_semaphore(%run_scoped3A : memref<!tpu.dma_semaphore, #tpu.memory_space<semaphore_mem>>)
      %dma_wait3A_106 = arith.constant 128 : i32
      %dma_wait3A_107 = arith.constant 0 : i32
      %dma_wait3A_108 = tpu.memref_slice %arg10[%dma_wait3A_106, %dma_wait3A_107] : memref<256x64xi32, #tpu.memory_space<vmem>> -> memref<128x64xi32, #tpu.memory_space<vmem>>
      %dma_wait3A_109 = arith.constant 0 : i32
      %dma_wait3A_110 = tpu.memref_slice %arg7[%add3A_34, %dma_wait3A_109] : memref<8192x64xi32, #tpu.memory_space<vmem_shared>> -> memref<128x64xi32, #tpu.memory_space<vmem_shared>>
      %dma_wait3A_111 = arith.constant 0 : i32
      %dma_wait3A_112 = tpu.memref_slice %arg7[%add3A_34, %dma_wait3A_111] : memref<8192x64xi32, #tpu.memory_space<vmem_shared>> -> memref<128x64xi32, #tpu.memory_space<vmem_shared>>
      %dma_wait3A_113 = arith.constant 128 : i32
      %dma_wait3A_114 = arith.constant 0 : i32
      %dma_wait3A_115 = tpu.memref_slice %arg10[%dma_wait3A_113, %dma_wait3A_114] : memref<256x64xi32, #tpu.memory_space<vmem>> -> memref<128x64xi32, #tpu.memory_space<vmem>>
      tpu.wait_dma2 semaphore(%run_scoped3A : memref<!tpu.dma_semaphore, #tpu.memory_space<semaphore_mem>>) src(%dma_wait3A_115 : memref<128x64xi32, #tpu.memory_space<vmem>>) dst(%dma_wait3A_112 : memref<128x64xi32, #tpu.memory_space<vmem_shared>>)
      tpu.yield
    }) : () -> ()
    %add3A_35 = arith.constant 128 : i32
    %add3A_36 = arith.addi %mul3A_4, %add3A_35 : i32
    %dma_start3A_37 = arith.constant 0 : i32
    %dma_start3A_38 = arith.constant 0 : i32
    %dma_start3A_39 = tpu.memref_slice %arg10[%dma_start3A_37, %dma_start3A_38] : memref<256x64xi32, #tpu.memory_space<vmem>> -> memref<128x64xi32, #tpu.memory_space<vmem>>
    %dma_start3A_40 = tpu.memref_slice %arg8[%add3A_36] : memref<4096xi32, #tpu.memory_space<vmem>> -> memref<128xi32, #tpu.memory_space<vmem>>
    %dma_start3A_41 = arith.constant 0 : i32
    %dma_start3A_42 = arith.constant 0 : i32
    %dma_start3A_43 = tpu.memref_slice %arg4[%dma_start3A_41, %dma_start3A_42] : memref<1000x64xi32, #tpu.memory_space<hbm>> -> memref<1000x64xi32, #tpu.memory_space<hbm>>
    tpu.enqueue_indirect_dma source(%dma_start3A_43 : memref<1000x64xi32, #tpu.memory_space<hbm>>) target(%dma_start3A_39 : memref<128x64xi32, #tpu.memory_space<vmem>>) offsets(%dma_start3A_40 : memref<128xi32, #tpu.memory_space<vmem>>) semaphore(%arg14 : memref<!tpu.dma_semaphore, #tpu.memory_space<semaphore_mem>>)
    %dma_start3A_44 = arith.constant 128 : i32
    %dma_start3A_45 = arith.constant 0 : i32
    %dma_start3A_46 = tpu.memref_slice %arg10[%dma_start3A_44, %dma_start3A_45] : memref<256x64xi32, #tpu.memory_space<vmem>> -> memref<128x64xi32, #tpu.memory_space<vmem>>
    %dma_start3A_47 = tpu.memref_slice %arg8[%add3A_36] : memref<4096xi32, #tpu.memory_space<vmem>> -> memref<128xi32, #tpu.memory_space<vmem>>
    %dma_start3A_48 = arith.constant 0 : i32
    %dma_start3A_49 = arith.constant 0 : i32
    %dma_start3A_50 = tpu.memref_slice %arg5[%dma_start3A_48, %dma_start3A_49] : memref<1000x64xi32, #tpu.memory_space<hbm>> -> memref<1000x64xi32, #tpu.memory_space<hbm>>
    tpu.enqueue_indirect_dma source(%dma_start3A_50 : memref<1000x64xi32, #tpu.memory_space<hbm>>) target(%dma_start3A_46 : memref<128x64xi32, #tpu.memory_space<vmem>>) offsets(%dma_start3A_47 : memref<128xi32, #tpu.memory_space<vmem>>) semaphore(%arg14 : memref<!tpu.dma_semaphore, #tpu.memory_space<semaphore_mem>>)
    %dma_wait3A_51 = arith.constant 0 : i32
    %dma_wait3A_52 = arith.constant 0 : i32
    %dma_wait3A_53 = tpu.memref_slice %arg10[%dma_wait3A_51, %dma_wait3A_52] : memref<256x64xi32, #tpu.memory_space<vmem>> -> memref<128x64xi32, #tpu.memory_space<vmem>>
    %dma_wait3A_54 = tpu.memref_slice %arg8[%add3A_36] : memref<4096xi32, #tpu.memory_space<vmem>> -> memref<128xi32, #tpu.memory_space<vmem>>
    %dma_wait3A_55 = arith.constant 0 : i32
    %dma_wait3A_56 = arith.constant 0 : i32
    %dma_wait3A_57 = tpu.memref_slice %arg4[%dma_wait3A_55, %dma_wait3A_56] : memref<1000x64xi32, #tpu.memory_space<hbm>> -> memref<1000x64xi32, #tpu.memory_space<hbm>>
    tpu.wait_indirect_dma semaphore(%arg14 : memref<!tpu.dma_semaphore, #tpu.memory_space<semaphore_mem>>) src(%dma_wait3A_57 : memref<1000x64xi32, #tpu.memory_space<hbm>>) dst(%dma_wait3A_53 : memref<128x64xi32, #tpu.memory_space<vmem>>)
    %dma_wait3A_58 = arith.constant 128 : i32
    %dma_wait3A_59 = arith.constant 0 : i32
    %dma_wait3A_60 = tpu.memref_slice %arg10[%dma_wait3A_58, %dma_wait3A_59] : memref<256x64xi32, #tpu.memory_space<vmem>> -> memref<128x64xi32, #tpu.memory_space<vmem>>
    %dma_wait3A_61 = tpu.memref_slice %arg8[%add3A_36] : memref<4096xi32, #tpu.memory_space<vmem>> -> memref<128xi32, #tpu.memory_space<vmem>>
    %dma_wait3A_62 = arith.constant 0 : i32
    %dma_wait3A_63 = arith.constant 0 : i32
    %dma_wait3A_64 = tpu.memref_slice %arg5[%dma_wait3A_62, %dma_wait3A_63] : memref<1000x64xi32, #tpu.memory_space<hbm>> -> memref<1000x64xi32, #tpu.memory_space<hbm>>
    tpu.wait_indirect_dma semaphore(%arg14 : memref<!tpu.dma_semaphore, #tpu.memory_space<semaphore_mem>>) src(%dma_wait3A_64 : memref<1000x64xi32, #tpu.memory_space<hbm>>) dst(%dma_wait3A_60 : memref<128x64xi32, #tpu.memory_space<vmem>>)
    "tpu.region"() ({
      %run_scoped3A = tpu.sem_alloc : memref<!tpu.dma_semaphore, #tpu.memory_space<semaphore_mem>>
      %dma_start3A_96 = arith.constant 0 : i32
      %dma_start3A_97 = arith.constant 0 : i32
      %dma_start3A_98 = tpu.memref_slice %arg10[%dma_start3A_96, %dma_start3A_97] : memref<256x64xi32, #tpu.memory_space<vmem>> -> memref<128x64xi32, #tpu.memory_space<vmem>>
      %dma_start3A_99 = arith.constant 0 : i32
      %dma_start3A_100 = tpu.memref_slice %arg7[%add3A_36, %dma_start3A_99] : memref<8192x64xi32, #tpu.memory_space<vmem_shared>> -> memref<128x64xi32, #tpu.memory_space<vmem_shared>>
      %dma_start3A_101 = arith.constant 0 : i32
      %dma_start3A_102 = tpu.memref_slice %arg7[%add3A_36, %dma_start3A_101] : memref<8192x64xi32, #tpu.memory_space<vmem_shared>> -> memref<128x64xi32, #tpu.memory_space<vmem_shared>>
      %dma_start3A_103 = arith.constant 0 : i32
      %dma_start3A_104 = arith.constant 0 : i32
      %dma_start3A_105 = tpu.memref_slice %arg10[%dma_start3A_103, %dma_start3A_104] : memref<256x64xi32, #tpu.memory_space<vmem>> -> memref<128x64xi32, #tpu.memory_space<vmem>>
      tpu.enqueue_dma source(%dma_start3A_105 : memref<128x64xi32, #tpu.memory_space<vmem>>) target(%dma_start3A_102 : memref<128x64xi32, #tpu.memory_space<vmem_shared>>) target_semaphore(%run_scoped3A : memref<!tpu.dma_semaphore, #tpu.memory_space<semaphore_mem>>)
      %dma_wait3A_106 = arith.constant 0 : i32
      %dma_wait3A_107 = arith.constant 0 : i32
      %dma_wait3A_108 = tpu.memref_slice %arg10[%dma_wait3A_106, %dma_wait3A_107] : memref<256x64xi32, #tpu.memory_space<vmem>> -> memref<128x64xi32, #tpu.memory_space<vmem>>
      %dma_wait3A_109 = arith.constant 0 : i32
      %dma_wait3A_110 = tpu.memref_slice %arg7[%add3A_36, %dma_wait3A_109] : memref<8192x64xi32, #tpu.memory_space<vmem_shared>> -> memref<128x64xi32, #tpu.memory_space<vmem_shared>>
      %dma_wait3A_111 = arith.constant 0 : i32
      %dma_wait3A_112 = tpu.memref_slice %arg7[%add3A_36, %dma_wait3A_111] : memref<8192x64xi32, #tpu.memory_space<vmem_shared>> -> memref<128x64xi32, #tpu.memory_space<vmem_shared>>
      %dma_wait3A_113 = arith.constant 0 : i32
      %dma_wait3A_114 = arith.constant 0 : i32
      %dma_wait3A_115 = tpu.memref_slice %arg10[%dma_wait3A_113, %dma_wait3A_114] : memref<256x64xi32, #tpu.memory_space<vmem>> -> memref<128x64xi32, #tpu.memory_space<vmem>>
      tpu.wait_dma2 semaphore(%run_scoped3A : memref<!tpu.dma_semaphore, #tpu.memory_space<semaphore_mem>>) src(%dma_wait3A_115 : memref<128x64xi32, #tpu.memory_space<vmem>>) dst(%dma_wait3A_112 : memref<128x64xi32, #tpu.memory_space<vmem_shared>>)
      tpu.yield
    }) : () -> ()
    %add3A_65 = arith.constant 4096 : i32
    %add3A_66 = arith.addi %add3A_65, %add3A_36 : i32
    "tpu.region"() ({
      %run_scoped3A = tpu.sem_alloc : memref<!tpu.dma_semaphore, #tpu.memory_space<semaphore_mem>>
      %dma_start3A_96 = arith.constant 128 : i32
      %dma_start3A_97 = arith.constant 0 : i32
      %dma_start3A_98 = tpu.memref_slice %arg10[%dma_start3A_96, %dma_start3A_97] : memref<256x64xi32, #tpu.memory_space<vmem>> -> memref<128x64xi32, #tpu.memory_space<vmem>>
      %dma_start3A_99 = arith.constant 0 : i32
      %dma_start3A_100 = tpu.memref_slice %arg7[%add3A_66, %dma_start3A_99] : memref<8192x64xi32, #tpu.memory_space<vmem_shared>> -> memref<128x64xi32, #tpu.memory_space<vmem_shared>>
      %dma_start3A_101 = arith.constant 0 : i32
      %dma_start3A_102 = tpu.memref_slice %arg7[%add3A_66, %dma_start3A_101] : memref<8192x64xi32, #tpu.memory_space<vmem_shared>> -> memref<128x64xi32, #tpu.memory_space<vmem_shared>>
      %dma_start3A_103 = arith.constant 128 : i32
      %dma_start3A_104 = arith.constant 0 : i32
      %dma_start3A_105 = tpu.memref_slice %arg10[%dma_start3A_103, %dma_start3A_104] : memref<256x64xi32, #tpu.memory_space<vmem>> -> memref<128x64xi32, #tpu.memory_space<vmem>>
      tpu.enqueue_dma source(%dma_start3A_105 : memref<128x64xi32, #tpu.memory_space<vmem>>) target(%dma_start3A_102 : memref<128x64xi32, #tpu.memory_space<vmem_shared>>) target_semaphore(%run_scoped3A : memref<!tpu.dma_semaphore, #tpu.memory_space<semaphore_mem>>)
      %dma_wait3A_106 = arith.constant 128 : i32
      %dma_wait3A_107 = arith.constant 0 : i32
      %dma_wait3A_108 = tpu.memref_slice %arg10[%dma_wait3A_106, %dma_wait3A_107] : memref<256x64xi32, #tpu.memory_space<vmem>> -> memref<128x64xi32, #tpu.memory_space<vmem>>
      %dma_wait3A_109 = arith.constant 0 : i32
      %dma_wait3A_110 = tpu.memref_slice %arg7[%add3A_66, %dma_wait3A_109] : memref<8192x64xi32, #tpu.memory_space<vmem_shared>> -> memref<128x64xi32, #tpu.memory_space<vmem_shared>>
      %dma_wait3A_111 = arith.constant 0 : i32
      %dma_wait3A_112 = tpu.memref_slice %arg7[%add3A_66, %dma_wait3A_111] : memref<8192x64xi32, #tpu.memory_space<vmem_shared>> -> memref<128x64xi32, #tpu.memory_space<vmem_shared>>
      %dma_wait3A_113 = arith.constant 128 : i32
      %dma_wait3A_114 = arith.constant 0 : i32
      %dma_wait3A_115 = tpu.memref_slice %arg10[%dma_wait3A_113, %dma_wait3A_114] : memref<256x64xi32, #tpu.memory_space<vmem>> -> memref<128x64xi32, #tpu.memory_space<vmem>>
      tpu.wait_dma2 semaphore(%run_scoped3A : memref<!tpu.dma_semaphore, #tpu.memory_space<semaphore_mem>>) src(%dma_wait3A_115 : memref<128x64xi32, #tpu.memory_space<vmem>>) dst(%dma_wait3A_112 : memref<128x64xi32, #tpu.memory_space<vmem_shared>>)
      tpu.yield
    }) : () -> ()
    %mul3A_67 = arith.constant 32 : i32
    %mul3A_68 = arith.muli %add3A, %mul3A_67 : i32
    "tpu.region"() ({
      %run_scoped3A = tpu.sem_alloc : memref<!tpu.dma_semaphore, #tpu.memory_space<semaphore_mem>>
      %dma_start3A_96 = arith.constant 0 : i32
      %dma_start3A_97 = tpu.memref_slice %arg3[%mul3A_68, %dma_start3A_96] : memref<1024x256xi32, #tpu.memory_space<hbm>> -> memref<32x256xi32, #tpu.memory_space<hbm>>
      %dma_start3A_98 = arith.constant 0 : i32
      %dma_start3A_99 = tpu.memref_slice %arg3[%mul3A_68, %dma_start3A_98] : memref<1024x256xi32, #tpu.memory_space<hbm>> -> memref<32x256xi32, #tpu.memory_space<hbm>>
      tpu.enqueue_dma source(%dma_start3A_99 : memref<32x256xi32, #tpu.memory_space<hbm>>) target(%arg9 : memref<32x256xi32, #tpu.memory_space<vmem>>) target_semaphore(%run_scoped3A : memref<!tpu.dma_semaphore, #tpu.memory_space<semaphore_mem>>)
      %dma_wait3A_100 = arith.constant 0 : i32
      %dma_wait3A_101 = tpu.memref_slice %arg3[%mul3A_68, %dma_wait3A_100] : memref<1024x256xi32, #tpu.memory_space<hbm>> -> memref<32x256xi32, #tpu.memory_space<hbm>>
      %dma_wait3A_102 = arith.constant 0 : i32
      %dma_wait3A_103 = tpu.memref_slice %arg3[%mul3A_68, %dma_wait3A_102] : memref<1024x256xi32, #tpu.memory_space<hbm>> -> memref<32x256xi32, #tpu.memory_space<hbm>>
      tpu.wait_dma2 semaphore(%run_scoped3A : memref<!tpu.dma_semaphore, #tpu.memory_space<semaphore_mem>>) src(%dma_wait3A_103 : memref<32x256xi32, #tpu.memory_space<hbm>>) dst(%arg9 : memref<32x256xi32, #tpu.memory_space<vmem>>)
      tpu.yield
    }) : () -> ()
    %barrier3A = arith.constant 0 : index
    tpu.barrier barrier_id(%barrier3A)
    %dma_start3A_69 = arith.constant 0 : i32
    %dma_start3A_70 = arith.constant 0 : i32
    %dma_start3A_71 = tpu.memref_slice %arg9[%dma_start3A_69, %dma_start3A_70] : memref<32x256xi32, #tpu.memory_space<vmem>> -> memref<1x256xi32, #tpu.memory_space<vmem>>
    %dma_start3A_72 = tpu.memref_squeeze %dma_start3A_71 : memref<1x256xi32, #tpu.memory_space<vmem>> -> memref<256xi32, #tpu.memory_space<vmem>>
    %dma_start3A_73 = arith.constant 0 : i32
    %dma_start3A_74 = arith.constant 0 : i32
    %dma_start3A_75 = tpu.memref_slice %arg7[%dma_start3A_73, %dma_start3A_74] : memref<8192x64xi32, #tpu.memory_space<vmem_shared>> -> memref<8192x64xi32, #tpu.memory_space<vmem_shared>>
    tpu.enqueue_indirect_dma source(%dma_start3A_75 : memref<8192x64xi32, #tpu.memory_space<vmem_shared>>) target(%arg10 : memref<256x64xi32, #tpu.memory_space<vmem>>) offsets(%dma_start3A_72 : memref<256xi32, #tpu.memory_space<vmem>>) semaphore(%arg14 : memref<!tpu.dma_semaphore, #tpu.memory_space<semaphore_mem>>)
    %dma_start3A_76 = arith.constant 1 : i32
    %dma_start3A_77 = arith.constant 0 : i32
    %dma_start3A_78 = tpu.memref_slice %arg9[%dma_start3A_76, %dma_start3A_77] : memref<32x256xi32, #tpu.memory_space<vmem>> -> memref<1x256xi32, #tpu.memory_space<vmem>>
    %dma_start3A_79 = tpu.memref_squeeze %dma_start3A_78 : memref<1x256xi32, #tpu.memory_space<vmem>> -> memref<256xi32, #tpu.memory_space<vmem>>
    %dma_start3A_80 = arith.constant 0 : i32
    %dma_start3A_81 = arith.constant 0 : i32
    %dma_start3A_82 = tpu.memref_slice %arg7[%dma_start3A_80, %dma_start3A_81] : memref<8192x64xi32, #tpu.memory_space<vmem_shared>> -> memref<8192x64xi32, #tpu.memory_space<vmem_shared>>
    tpu.enqueue_indirect_dma source(%dma_start3A_82 : memref<8192x64xi32, #tpu.memory_space<vmem_shared>>) target(%arg11 : memref<256x64xi32, #tpu.memory_space<vmem>>) offsets(%dma_start3A_79 : memref<256xi32, #tpu.memory_space<vmem>>) semaphore(%arg15 : memref<!tpu.dma_semaphore, #tpu.memory_space<semaphore_mem>>)
    %scan3A = arith.constant 0 : i32
    %scan3A_83 = arith.constant 0 : i32
    %scan3A_84 = arith.constant 16 : i32
    %scan3A_85 = arith.addi %scan3A_83, %scan3A_84 : i32
    %scan3A_86 = arith.constant 1 : i32
    scf.for %scan3A_96 = %scan3A_83 to %scan3A_85 step %scan3A_86  : i32 {
      %mul3A_97 = arith.constant 2 : i32
      %mul3A_98 = arith.muli %mul3A_97, %scan3A_96 : i32
      %add3A_99 = arith.constant 0 : i32
      %add3A_100 = arith.addi %mul3A_98, %add3A_99 : i32
      %dma_wait3A_101 = arith.constant 0 : i32
      %dma_wait3A_102 = tpu.memref_slice %arg9[%add3A_100, %dma_wait3A_101] : memref<32x256xi32, #tpu.memory_space<vmem>> -> memref<1x256xi32, #tpu.memory_space<vmem>>
      %dma_wait3A_103 = tpu.memref_squeeze %dma_wait3A_102 : memref<1x256xi32, #tpu.memory_space<vmem>> -> memref<256xi32, #tpu.memory_space<vmem>>
      %dma_wait3A_104 = arith.constant 0 : i32
      %dma_wait3A_105 = arith.constant 0 : i32
      %dma_wait3A_106 = tpu.memref_slice %arg7[%dma_wait3A_104, %dma_wait3A_105] : memref<8192x64xi32, #tpu.memory_space<vmem_shared>> -> memref<8192x64xi32, #tpu.memory_space<vmem_shared>>
      tpu.wait_indirect_dma semaphore(%arg14 : memref<!tpu.dma_semaphore, #tpu.memory_space<semaphore_mem>>) src(%dma_wait3A_106 : memref<8192x64xi32, #tpu.memory_space<vmem_shared>>) dst(%arg10 : memref<256x64xi32, #tpu.memory_space<vmem>>)
      %gt3A = arith.constant 0 : i32
      %gt3A_107 = arith.cmpi sgt, %scan3A_96, %gt3A : i32
      %convert_element_type3A = arith.extui %gt3A_107 : i1 to i32
      %cond3A = arith.constant 0 : i32
      %cond3A_108 = arith.cmpi ne, %convert_element_type3A, %cond3A : i32
      scf.if %cond3A_108 {
        %dma_wait3A_156 = arith.constant 0 : i32
        %dma_wait3A_157 = tpu.memref_slice %arg6[%mul3A_2, %dma_wait3A_156] : memref<131072x128xf32, #tpu.memory_space<hbm>> -> memref<128x128xf32, #tpu.memory_space<hbm>>
        %dma_wait3A_158 = arith.constant 0 : i32
        %dma_wait3A_159 = tpu.memref_slice %arg6[%mul3A_2, %dma_wait3A_158] : memref<131072x128xf32, #tpu.memory_space<hbm>> -> memref<128x128xf32, #tpu.memory_space<hbm>>
        tpu.wait_dma2 semaphore(%arg16 : memref<!tpu.dma_semaphore, #tpu.memory_space<semaphore_mem>>) src(%arg12 : memref<128x128xf32, #tpu.memory_space<vmem>>) dst(%dma_wait3A_159 : memref<128x128xf32, #tpu.memory_space<hbm>>)
      } else {
      }
      %parallel_loop3A = arith.constant 0 : i32
      %parallel_loop3A_109 = arith.constant 128 : i32
      %parallel_loop3A_110 = arith.constant 1 : i32
      scf.for %parallel_loop3A_156 = %parallel_loop3A to %parallel_loop3A_109 step %parallel_loop3A_110  : i32 {
        %parallel_loop3A_157 = arith.index_cast %parallel_loop3A_156 : i32 to index
        %parallel_loop3A_158 = arith.constant 0 : index
        %parallel_loop3A_159 = tpu.vector_load %arg10[%parallel_loop3A_157, %parallel_loop3A_158] {strides = array<i32>} : memref<256x64xi32, #tpu.memory_space<vmem>>, vector<16xi32>,
        %parallel_loop3A_160 = arith.constant 128 : i32
        %parallel_loop3A_161 = arith.addi %parallel_loop3A_156, %parallel_loop3A_160 : i32
        %parallel_loop3A_162 = arith.index_cast %parallel_loop3A_161 : i32 to index
        %parallel_loop3A_163 = arith.constant 0 : index
        %parallel_loop3A_164 = tpu.vector_load %arg10[%parallel_loop3A_162, %parallel_loop3A_163] {strides = array<i32>} : memref<256x64xi32, #tpu.memory_space<vmem>>, vector<16xi32>,
        %parallel_loop3A_165 = vector.bitcast %parallel_loop3A_159 : vector<16xi32> to vector<32xbf16>
        %parallel_loop3A_166 = vector.bitcast %parallel_loop3A_164 : vector<16xi32> to vector<32xbf16>
        %parallel_loop3A_167 = arith.mulf %parallel_loop3A_165, %parallel_loop3A_166 : vector<32xbf16>
        %parallel_loop3A_168 = tpu.unpack_subelements %parallel_loop3A_167, 0 {pack_format = #tpu.pack_format<interleaved>} : vector<32xbf16> -> vector<16xf32>
        %parallel_loop3A_169 = tpu.unpack_subelements %parallel_loop3A_167, 1 {pack_format = #tpu.pack_format<interleaved>} : vector<32xbf16> -> vector<16xf32>
        %parallel_loop3A_170 = arith.addf %parallel_loop3A_168, %parallel_loop3A_169 : vector<16xf32>
        %parallel_loop3A_171 = arith.index_cast %parallel_loop3A_156 : i32 to index
        %parallel_loop3A_172 = arith.constant 16 : index
        %parallel_loop3A_173 = tpu.vector_load %arg10[%parallel_loop3A_171, %parallel_loop3A_172] {strides = array<i32>} : memref<256x64xi32, #tpu.memory_space<vmem>>, vector<16xi32>,
        %parallel_loop3A_174 = arith.constant 128 : i32
        %parallel_loop3A_175 = arith.addi %parallel_loop3A_156, %parallel_loop3A_174 : i32
        %parallel_loop3A_176 = arith.index_cast %parallel_loop3A_175 : i32 to index
        %parallel_loop3A_177 = arith.constant 16 : index
        %parallel_loop3A_178 = tpu.vector_load %arg10[%parallel_loop3A_176, %parallel_loop3A_177] {strides = array<i32>} : memref<256x64xi32, #tpu.memory_space<vmem>>, vector<16xi32>,
        %parallel_loop3A_179 = vector.bitcast %parallel_loop3A_173 : vector<16xi32> to vector<32xbf16>
        %parallel_loop3A_180 = vector.bitcast %parallel_loop3A_178 : vector<16xi32> to vector<32xbf16>
        %parallel_loop3A_181 = arith.mulf %parallel_loop3A_179, %parallel_loop3A_180 : vector<32xbf16>
        %parallel_loop3A_182 = tpu.unpack_subelements %parallel_loop3A_181, 0 {pack_format = #tpu.pack_format<interleaved>} : vector<32xbf16> -> vector<16xf32>
        %parallel_loop3A_183 = tpu.unpack_subelements %parallel_loop3A_181, 1 {pack_format = #tpu.pack_format<interleaved>} : vector<32xbf16> -> vector<16xf32>
        %parallel_loop3A_184 = arith.addf %parallel_loop3A_170, %parallel_loop3A_182 : vector<16xf32>
        %parallel_loop3A_185 = arith.addf %parallel_loop3A_184, %parallel_loop3A_183 : vector<16xf32>
        %parallel_loop3A_186 = arith.index_cast %parallel_loop3A_156 : i32 to index
        %parallel_loop3A_187 = arith.constant 32 : index
        %parallel_loop3A_188 = tpu.vector_load %arg10[%parallel_loop3A_186, %parallel_loop3A_187] {strides = array<i32>} : memref<256x64xi32, #tpu.memory_space<vmem>>, vector<16xi32>,
        %parallel_loop3A_189 = arith.constant 128 : i32
        %parallel_loop3A_190 = arith.addi %parallel_loop3A_156, %parallel_loop3A_189 : i32
        %parallel_loop3A_191 = arith.index_cast %parallel_loop3A_190 : i32 to index
        %parallel_loop3A_192 = arith.constant 32 : index
        %parallel_loop3A_193 = tpu.vector_load %arg10[%parallel_loop3A_191, %parallel_loop3A_192] {strides = array<i32>} : memref<256x64xi32, #tpu.memory_space<vmem>>, vector<16xi32>,
        %parallel_loop3A_194 = vector.bitcast %parallel_loop3A_188 : vector<16xi32> to vector<32xbf16>
        %parallel_loop3A_195 = vector.bitcast %parallel_loop3A_193 : vector<16xi32> to vector<32xbf16>
        %parallel_loop3A_196 = arith.mulf %parallel_loop3A_194, %parallel_loop3A_195 : vector<32xbf16>
        %parallel_loop3A_197 = tpu.unpack_subelements %parallel_loop3A_196, 0 {pack_format = #tpu.pack_format<interleaved>} : vector<32xbf16> -> vector<16xf32>
        %parallel_loop3A_198 = tpu.unpack_subelements %parallel_loop3A_196, 1 {pack_format = #tpu.pack_format<interleaved>} : vector<32xbf16> -> vector<16xf32>
        %parallel_loop3A_199 = arith.addf %parallel_loop3A_185, %parallel_loop3A_197 : vector<16xf32>
        %parallel_loop3A_200 = arith.addf %parallel_loop3A_199, %parallel_loop3A_198 : vector<16xf32>
        %parallel_loop3A_201 = arith.index_cast %parallel_loop3A_156 : i32 to index
        %parallel_loop3A_202 = arith.constant 48 : index
        %parallel_loop3A_203 = tpu.vector_load %arg10[%parallel_loop3A_201, %parallel_loop3A_202] {strides = array<i32>} : memref<256x64xi32, #tpu.memory_space<vmem>>, vector<16xi32>,
        %parallel_loop3A_204 = arith.constant 128 : i32
        %parallel_loop3A_205 = arith.addi %parallel_loop3A_156, %parallel_loop3A_204 : i32
        %parallel_loop3A_206 = arith.index_cast %parallel_loop3A_205 : i32 to index
        %parallel_loop3A_207 = arith.constant 48 : index
        %parallel_loop3A_208 = tpu.vector_load %arg10[%parallel_loop3A_206, %parallel_loop3A_207] {strides = array<i32>} : memref<256x64xi32, #tpu.memory_space<vmem>>, vector<16xi32>,
        %parallel_loop3A_209 = vector.bitcast %parallel_loop3A_203 : vector<16xi32> to vector<32xbf16>
        %parallel_loop3A_210 = vector.bitcast %parallel_loop3A_208 : vector<16xi32> to vector<32xbf16>
        %parallel_loop3A_211 = arith.mulf %parallel_loop3A_209, %parallel_loop3A_210 : vector<32xbf16>
        %parallel_loop3A_212 = tpu.unpack_subelements %parallel_loop3A_211, 0 {pack_format = #tpu.pack_format<interleaved>} : vector<32xbf16> -> vector<16xf32>
        %parallel_loop3A_213 = tpu.unpack_subelements %parallel_loop3A_211, 1 {pack_format = #tpu.pack_format<interleaved>} : vector<32xbf16> -> vector<16xf32>
        %parallel_loop3A_214 = arith.addf %parallel_loop3A_200, %parallel_loop3A_212 : vector<16xf32>
        %parallel_loop3A_215 = arith.addf %parallel_loop3A_214, %parallel_loop3A_213 : vector<16xf32>
        %parallel_loop3A_216 = arith.constant true
        %parallel_loop3A_217 = vector.broadcast %parallel_loop3A_216 : i1 to vector<16xi1>
        %parallel_loop3A_218 = tpu.scan <sum>, %parallel_loop3A_215 masked %parallel_loop3A_217 : vector<16xf32>, vector<16xi1> -> vector<16xf32>
        %parallel_loop3A_219 = vector.extract %parallel_loop3A_218[15] : f32 from vector<16xf32>
        %parallel_loop3A_220 = vector.broadcast %parallel_loop3A_219 : f32 to vector<16xf32>
        %parallel_loop3A_221 = arith.constant 9.99999996E-13 : f32
        %parallel_loop3A_222 = vector.broadcast %parallel_loop3A_221 : f32 to vector<16xf32>
        %parallel_loop3A_223 = arith.maximumf %parallel_loop3A_220, %parallel_loop3A_222 : vector<16xf32>
        %parallel_loop3A_224 = arith.constant 1.000000e+00 : f32
        %parallel_loop3A_225 = vector.broadcast %parallel_loop3A_224 : f32 to vector<16xf32>
        %parallel_loop3A_226 = arith.divf %parallel_loop3A_225, %parallel_loop3A_223 : vector<16xf32>
        %parallel_loop3A_227 = arith.mulf %parallel_loop3A_168, %parallel_loop3A_226 : vector<16xf32>
        %parallel_loop3A_228 = arith.index_cast %parallel_loop3A_156 : i32 to index
        %parallel_loop3A_229 = arith.constant 0 : index
        %parallel_loop3A_230 = tpu.vector_load %arg12[%parallel_loop3A_228, %parallel_loop3A_229] {strides = array<i32>} : memref<128x128xf32, #tpu.memory_space<vmem>>, vector<16xf32>,
        tpu.vector_store %arg12[%parallel_loop3A_228, %parallel_loop3A_229], %parallel_loop3A_227 {strides = array<i32>} : memref<128x128xf32, #tpu.memory_space<vmem>>, vector<16xf32>,
        %parallel_loop3A_231 = arith.mulf %parallel_loop3A_169, %parallel_loop3A_226 : vector<16xf32>
        %parallel_loop3A_232 = arith.index_cast %parallel_loop3A_156 : i32 to index
        %parallel_loop3A_233 = arith.constant 16 : index
        %parallel_loop3A_234 = tpu.vector_load %arg12[%parallel_loop3A_232, %parallel_loop3A_233] {strides = array<i32>} : memref<128x128xf32, #tpu.memory_space<vmem>>, vector<16xf32>,
        tpu.vector_store %arg12[%parallel_loop3A_232, %parallel_loop3A_233], %parallel_loop3A_231 {strides = array<i32>} : memref<128x128xf32, #tpu.memory_space<vmem>>, vector<16xf32>,
        %parallel_loop3A_235 = arith.mulf %parallel_loop3A_182, %parallel_loop3A_226 : vector<16xf32>
        %parallel_loop3A_236 = arith.index_cast %parallel_loop3A_156 : i32 to index
        %parallel_loop3A_237 = arith.constant 32 : index
        %parallel_loop3A_238 = tpu.vector_load %arg12[%parallel_loop3A_236, %parallel_loop3A_237] {strides = array<i32>} : memref<128x128xf32, #tpu.memory_space<vmem>>, vector<16xf32>,
        tpu.vector_store %arg12[%parallel_loop3A_236, %parallel_loop3A_237], %parallel_loop3A_235 {strides = array<i32>} : memref<128x128xf32, #tpu.memory_space<vmem>>, vector<16xf32>,
        %parallel_loop3A_239 = arith.mulf %parallel_loop3A_183, %parallel_loop3A_226 : vector<16xf32>
        %parallel_loop3A_240 = arith.index_cast %parallel_loop3A_156 : i32 to index
        %parallel_loop3A_241 = arith.constant 48 : index
        %parallel_loop3A_242 = tpu.vector_load %arg12[%parallel_loop3A_240, %parallel_loop3A_241] {strides = array<i32>} : memref<128x128xf32, #tpu.memory_space<vmem>>, vector<16xf32>,
        tpu.vector_store %arg12[%parallel_loop3A_240, %parallel_loop3A_241], %parallel_loop3A_239 {strides = array<i32>} : memref<128x128xf32, #tpu.memory_space<vmem>>, vector<16xf32>,
        %parallel_loop3A_243 = arith.mulf %parallel_loop3A_197, %parallel_loop3A_226 : vector<16xf32>
        %parallel_loop3A_244 = arith.index_cast %parallel_loop3A_156 : i32 to index
        %parallel_loop3A_245 = arith.constant 64 : index
        %parallel_loop3A_246 = tpu.vector_load %arg12[%parallel_loop3A_244, %parallel_loop3A_245] {strides = array<i32>} : memref<128x128xf32, #tpu.memory_space<vmem>>, vector<16xf32>,
        tpu.vector_store %arg12[%parallel_loop3A_244, %parallel_loop3A_245], %parallel_loop3A_243 {strides = array<i32>} : memref<128x128xf32, #tpu.memory_space<vmem>>, vector<16xf32>,
        %parallel_loop3A_247 = arith.mulf %parallel_loop3A_198, %parallel_loop3A_226 : vector<16xf32>
        %parallel_loop3A_248 = arith.index_cast %parallel_loop3A_156 : i32 to index
        %parallel_loop3A_249 = arith.constant 80 : index
        %parallel_loop3A_250 = tpu.vector_load %arg12[%parallel_loop3A_248, %parallel_loop3A_249] {strides = array<i32>} : memref<128x128xf32, #tpu.memory_space<vmem>>, vector<16xf32>,
        tpu.vector_store %arg12[%parallel_loop3A_248, %parallel_loop3A_249], %parallel_loop3A_247 {strides = array<i32>} : memref<128x128xf32, #tpu.memory_space<vmem>>, vector<16xf32>,
        %parallel_loop3A_251 = arith.mulf %parallel_loop3A_212, %parallel_loop3A_226 : vector<16xf32>
        %parallel_loop3A_252 = arith.index_cast %parallel_loop3A_156 : i32 to index
        %parallel_loop3A_253 = arith.constant 96 : index
        %parallel_loop3A_254 = tpu.vector_load %arg12[%parallel_loop3A_252, %parallel_loop3A_253] {strides = array<i32>} : memref<128x128xf32, #tpu.memory_space<vmem>>, vector<16xf32>,
        tpu.vector_store %arg12[%parallel_loop3A_252, %parallel_loop3A_253], %parallel_loop3A_251 {strides = array<i32>} : memref<128x128xf32, #tpu.memory_space<vmem>>, vector<16xf32>,
        %parallel_loop3A_255 = arith.mulf %parallel_loop3A_213, %parallel_loop3A_226 : vector<16xf32>
        %parallel_loop3A_256 = arith.index_cast %parallel_loop3A_156 : i32 to index
        %parallel_loop3A_257 = arith.constant 112 : index
        %parallel_loop3A_258 = tpu.vector_load %arg12[%parallel_loop3A_256, %parallel_loop3A_257] {strides = array<i32>} : memref<128x128xf32, #tpu.memory_space<vmem>>, vector<16xf32>,
        tpu.vector_store %arg12[%parallel_loop3A_256, %parallel_loop3A_257], %parallel_loop3A_255 {strides = array<i32>} : memref<128x128xf32, #tpu.memory_space<vmem>>, vector<16xf32>,
      } {sc.loop_unroll_factor = 4 : i64, sc.parallel_access}
      %mul3A_111 = arith.constant 128 : i32
      %mul3A_112 = arith.muli %add3A_100, %mul3A_111 : i32
      %add3A_113 = arith.addi %mul3A_2, %mul3A_112 : i32
      %dma_start3A_114 = arith.constant 0 : i32
      %dma_start3A_115 = tpu.memref_slice %arg6[%add3A_113, %dma_start3A_114] : memref<131072x128xf32, #tpu.memory_space<hbm>> -> memref<128x128xf32, #tpu.memory_space<hbm>>
      %dma_start3A_116 = arith.constant 0 : i32
      %dma_start3A_117 = tpu.memref_slice %arg6[%add3A_113, %dma_start3A_116] : memref<131072x128xf32, #tpu.memory_space<hbm>> -> memref<128x128xf32, #tpu.memory_space<hbm>>
      tpu.enqueue_dma source(%arg12 : memref<128x128xf32, #tpu.memory_space<vmem>>) target(%dma_start3A_117 : memref<128x128xf32, #tpu.memory_space<hbm>>) target_semaphore(%arg16 : memref<!tpu.dma_semaphore, #tpu.memory_space<semaphore_mem>>)
      %add3A_118 = arith.constant 2 : i32
      %add3A_119 = arith.addi %add3A_100, %add3A_118 : i32
      %lt3A = arith.constant 32 : i32
      %lt3A_120 = arith.cmpi slt, %add3A_119, %lt3A : i32
      %convert_element_type3A_121 = arith.extui %lt3A_120 : i1 to i32
      %cond3A_122 = arith.constant 0 : i32
      %cond3A_123 = arith.cmpi ne, %convert_element_type3A_121, %cond3A_122 : i32
      scf.if %cond3A_123 {
        %add3A_156 = arith.constant 2 : i32
        %add3A_157 = arith.addi %add3A_100, %add3A_156 : i32
        %dma_start3A_158 = arith.constant 0 : i32
        %dma_start3A_159 = tpu.memref_slice %arg9[%add3A_157, %dma_start3A_158] : memref<32x256xi32, #tpu.memory_space<vmem>> -> memref<1x256xi32, #tpu.memory_space<vmem>>
        %dma_start3A_160 = tpu.memref_squeeze %dma_start3A_159 : memref<1x256xi32, #tpu.memory_space<vmem>> -> memref<256xi32, #tpu.memory_space<vmem>>
        %dma_start3A_161 = arith.constant 0 : i32
        %dma_start3A_162 = arith.constant 0 : i32
        %dma_start3A_163 = tpu.memref_slice %arg7[%dma_start3A_161, %dma_start3A_162] : memref<8192x64xi32, #tpu.memory_space<vmem_shared>> -> memref<8192x64xi32, #tpu.memory_space<vmem_shared>>
        tpu.enqueue_indirect_dma source(%dma_start3A_163 : memref<8192x64xi32, #tpu.memory_space<vmem_shared>>) target(%arg10 : memref<256x64xi32, #tpu.memory_space<vmem>>) offsets(%dma_start3A_160 : memref<256xi32, #tpu.memory_space<vmem>>) semaphore(%arg14 : memref<!tpu.dma_semaphore, #tpu.memory_space<semaphore_mem>>)
      } else {
      }
      %mul3A_124 = arith.constant 2 : i32
      %mul3A_125 = arith.muli %mul3A_124, %scan3A_96 : i32
      %add3A_126 = arith.constant 1 : i32
      %add3A_127 = arith.addi %mul3A_125, %add3A_126 : i32
      %dma_wait3A_128 = arith.constant 0 : i32
      %dma_wait3A_129 = tpu.memref_slice %arg9[%add3A_127, %dma_wait3A_128] : memref<32x256xi32, #tpu.memory_space<vmem>> -> memref<1x256xi32, #tpu.memory_space<vmem>>
      %dma_wait3A_130 = tpu.memref_squeeze %dma_wait3A_129 : memref<1x256xi32, #tpu.memory_space<vmem>> -> memref<256xi32, #tpu.memory_space<vmem>>
      %dma_wait3A_131 = arith.constant 0 : i32
      %dma_wait3A_132 = arith.constant 0 : i32
      %dma_wait3A_133 = tpu.memref_slice %arg7[%dma_wait3A_131, %dma_wait3A_132] : memref<8192x64xi32, #tpu.memory_space<vmem_shared>> -> memref<8192x64xi32, #tpu.memory_space<vmem_shared>>
      tpu.wait_indirect_dma semaphore(%arg15 : memref<!tpu.dma_semaphore, #tpu.memory_space<semaphore_mem>>) src(%dma_wait3A_133 : memref<8192x64xi32, #tpu.memory_space<vmem_shared>>) dst(%arg11 : memref<256x64xi32, #tpu.memory_space<vmem>>)
      %gt3A_134 = arith.constant 0 : i32
      %gt3A_135 = arith.cmpi sgt, %scan3A_96, %gt3A_134 : i32
      %convert_element_type3A_136 = arith.extui %gt3A_135 : i1 to i32
      %cond3A_137 = arith.constant 0 : i32
      %cond3A_138 = arith.cmpi ne, %convert_element_type3A_136, %cond3A_137 : i32
      scf.if %cond3A_138 {
        %dma_wait3A_156 = arith.constant 0 : i32
        %dma_wait3A_157 = tpu.memref_slice %arg6[%mul3A_2, %dma_wait3A_156] : memref<131072x128xf32, #tpu.memory_space<hbm>> -> memref<128x128xf32, #tpu.memory_space<hbm>>
        %dma_wait3A_158 = arith.constant 0 : i32
        %dma_wait3A_159 = tpu.memref_slice %arg6[%mul3A_2, %dma_wait3A_158] : memref<131072x128xf32, #tpu.memory_space<hbm>> -> memref<128x128xf32, #tpu.memory_space<hbm>>
        tpu.wait_dma2 semaphore(%arg17 : memref<!tpu.dma_semaphore, #tpu.memory_space<semaphore_mem>>) src(%arg13 : memref<128x128xf32, #tpu.memory_space<vmem>>) dst(%dma_wait3A_159 : memref<128x128xf32, #tpu.memory_space<hbm>>)
      } else {
      }
      %parallel_loop3A_139 = arith.constant 0 : i32
      %parallel_loop3A_140 = arith.constant 128 : i32
      %parallel_loop3A_141 = arith.constant 1 : i32
      scf.for %parallel_loop3A_156 = %parallel_loop3A_139 to %parallel_loop3A_140 step %parallel_loop3A_141  : i32 {
        %parallel_loop3A_157 = arith.index_cast %parallel_loop3A_156 : i32 to index
        %parallel_loop3A_158 = arith.constant 0 : index
        %parallel_loop3A_159 = tpu.vector_load %arg11[%parallel_loop3A_157, %parallel_loop3A_158] {strides = array<i32>} : memref<256x64xi32, #tpu.memory_space<vmem>>, vector<16xi32>,
        %parallel_loop3A_160 = arith.constant 128 : i32
        %parallel_loop3A_161 = arith.addi %parallel_loop3A_156, %parallel_loop3A_160 : i32
        %parallel_loop3A_162 = arith.index_cast %parallel_loop3A_161 : i32 to index
        %parallel_loop3A_163 = arith.constant 0 : index
        %parallel_loop3A_164 = tpu.vector_load %arg11[%parallel_loop3A_162, %parallel_loop3A_163] {strides = array<i32>} : memref<256x64xi32, #tpu.memory_space<vmem>>, vector<16xi32>,
        %parallel_loop3A_165 = vector.bitcast %parallel_loop3A_159 : vector<16xi32> to vector<32xbf16>
        %parallel_loop3A_166 = vector.bitcast %parallel_loop3A_164 : vector<16xi32> to vector<32xbf16>
        %parallel_loop3A_167 = arith.mulf %parallel_loop3A_165, %parallel_loop3A_166 : vector<32xbf16>
        %parallel_loop3A_168 = tpu.unpack_subelements %parallel_loop3A_167, 0 {pack_format = #tpu.pack_format<interleaved>} : vector<32xbf16> -> vector<16xf32>
        %parallel_loop3A_169 = tpu.unpack_subelements %parallel_loop3A_167, 1 {pack_format = #tpu.pack_format<interleaved>} : vector<32xbf16> -> vector<16xf32>
        %parallel_loop3A_170 = arith.addf %parallel_loop3A_168, %parallel_loop3A_169 : vector<16xf32>
        %parallel_loop3A_171 = arith.index_cast %parallel_loop3A_156 : i32 to index
        %parallel_loop3A_172 = arith.constant 16 : index
        %parallel_loop3A_173 = tpu.vector_load %arg11[%parallel_loop3A_171, %parallel_loop3A_172] {strides = array<i32>} : memref<256x64xi32, #tpu.memory_space<vmem>>, vector<16xi32>,
        %parallel_loop3A_174 = arith.constant 128 : i32
        %parallel_loop3A_175 = arith.addi %parallel_loop3A_156, %parallel_loop3A_174 : i32
        %parallel_loop3A_176 = arith.index_cast %parallel_loop3A_175 : i32 to index
        %parallel_loop3A_177 = arith.constant 16 : index
        %parallel_loop3A_178 = tpu.vector_load %arg11[%parallel_loop3A_176, %parallel_loop3A_177] {strides = array<i32>} : memref<256x64xi32, #tpu.memory_space<vmem>>, vector<16xi32>,
        %parallel_loop3A_179 = vector.bitcast %parallel_loop3A_173 : vector<16xi32> to vector<32xbf16>
        %parallel_loop3A_180 = vector.bitcast %parallel_loop3A_178 : vector<16xi32> to vector<32xbf16>
        %parallel_loop3A_181 = arith.mulf %parallel_loop3A_179, %parallel_loop3A_180 : vector<32xbf16>
        %parallel_loop3A_182 = tpu.unpack_subelements %parallel_loop3A_181, 0 {pack_format = #tpu.pack_format<interleaved>} : vector<32xbf16> -> vector<16xf32>
        %parallel_loop3A_183 = tpu.unpack_subelements %parallel_loop3A_181, 1 {pack_format = #tpu.pack_format<interleaved>} : vector<32xbf16> -> vector<16xf32>
        %parallel_loop3A_184 = arith.addf %parallel_loop3A_170, %parallel_loop3A_182 : vector<16xf32>
        %parallel_loop3A_185 = arith.addf %parallel_loop3A_184, %parallel_loop3A_183 : vector<16xf32>
        %parallel_loop3A_186 = arith.index_cast %parallel_loop3A_156 : i32 to index
        %parallel_loop3A_187 = arith.constant 32 : index
        %parallel_loop3A_188 = tpu.vector_load %arg11[%parallel_loop3A_186, %parallel_loop3A_187] {strides = array<i32>} : memref<256x64xi32, #tpu.memory_space<vmem>>, vector<16xi32>,
        %parallel_loop3A_189 = arith.constant 128 : i32
        %parallel_loop3A_190 = arith.addi %parallel_loop3A_156, %parallel_loop3A_189 : i32
        %parallel_loop3A_191 = arith.index_cast %parallel_loop3A_190 : i32 to index
        %parallel_loop3A_192 = arith.constant 32 : index
        %parallel_loop3A_193 = tpu.vector_load %arg11[%parallel_loop3A_191, %parallel_loop3A_192] {strides = array<i32>} : memref<256x64xi32, #tpu.memory_space<vmem>>, vector<16xi32>,
        %parallel_loop3A_194 = vector.bitcast %parallel_loop3A_188 : vector<16xi32> to vector<32xbf16>
        %parallel_loop3A_195 = vector.bitcast %parallel_loop3A_193 : vector<16xi32> to vector<32xbf16>
        %parallel_loop3A_196 = arith.mulf %parallel_loop3A_194, %parallel_loop3A_195 : vector<32xbf16>
        %parallel_loop3A_197 = tpu.unpack_subelements %parallel_loop3A_196, 0 {pack_format = #tpu.pack_format<interleaved>} : vector<32xbf16> -> vector<16xf32>
        %parallel_loop3A_198 = tpu.unpack_subelements %parallel_loop3A_196, 1 {pack_format = #tpu.pack_format<interleaved>} : vector<32xbf16> -> vector<16xf32>
        %parallel_loop3A_199 = arith.addf %parallel_loop3A_185, %parallel_loop3A_197 : vector<16xf32>
        %parallel_loop3A_200 = arith.addf %parallel_loop3A_199, %parallel_loop3A_198 : vector<16xf32>
        %parallel_loop3A_201 = arith.index_cast %parallel_loop3A_156 : i32 to index
        %parallel_loop3A_202 = arith.constant 48 : index
        %parallel_loop3A_203 = tpu.vector_load %arg11[%parallel_loop3A_201, %parallel_loop3A_202] {strides = array<i32>} : memref<256x64xi32, #tpu.memory_space<vmem>>, vector<16xi32>,
        %parallel_loop3A_204 = arith.constant 128 : i32
        %parallel_loop3A_205 = arith.addi %parallel_loop3A_156, %parallel_loop3A_204 : i32
        %parallel_loop3A_206 = arith.index_cast %parallel_loop3A_205 : i32 to index
        %parallel_loop3A_207 = arith.constant 48 : index
        %parallel_loop3A_208 = tpu.vector_load %arg11[%parallel_loop3A_206, %parallel_loop3A_207] {strides = array<i32>} : memref<256x64xi32, #tpu.memory_space<vmem>>, vector<16xi32>,
        %parallel_loop3A_209 = vector.bitcast %parallel_loop3A_203 : vector<16xi32> to vector<32xbf16>
        %parallel_loop3A_210 = vector.bitcast %parallel_loop3A_208 : vector<16xi32> to vector<32xbf16>
        %parallel_loop3A_211 = arith.mulf %parallel_loop3A_209, %parallel_loop3A_210 : vector<32xbf16>
        %parallel_loop3A_212 = tpu.unpack_subelements %parallel_loop3A_211, 0 {pack_format = #tpu.pack_format<interleaved>} : vector<32xbf16> -> vector<16xf32>
        %parallel_loop3A_213 = tpu.unpack_subelements %parallel_loop3A_211, 1 {pack_format = #tpu.pack_format<interleaved>} : vector<32xbf16> -> vector<16xf32>
        %parallel_loop3A_214 = arith.addf %parallel_loop3A_200, %parallel_loop3A_212 : vector<16xf32>
        %parallel_loop3A_215 = arith.addf %parallel_loop3A_214, %parallel_loop3A_213 : vector<16xf32>
        %parallel_loop3A_216 = arith.constant true
        %parallel_loop3A_217 = vector.broadcast %parallel_loop3A_216 : i1 to vector<16xi1>
        %parallel_loop3A_218 = tpu.scan <sum>, %parallel_loop3A_215 masked %parallel_loop3A_217 : vector<16xf32>, vector<16xi1> -> vector<16xf32>
        %parallel_loop3A_219 = vector.extract %parallel_loop3A_218[15] : f32 from vector<16xf32>
        %parallel_loop3A_220 = vector.broadcast %parallel_loop3A_219 : f32 to vector<16xf32>
        %parallel_loop3A_221 = arith.constant 9.99999996E-13 : f32
        %parallel_loop3A_222 = vector.broadcast %parallel_loop3A_221 : f32 to vector<16xf32>
        %parallel_loop3A_223 = arith.maximumf %parallel_loop3A_220, %parallel_loop3A_222 : vector<16xf32>
        %parallel_loop3A_224 = arith.constant 1.000000e+00 : f32
        %parallel_loop3A_225 = vector.broadcast %parallel_loop3A_224 : f32 to vector<16xf32>
        %parallel_loop3A_226 = arith.divf %parallel_loop3A_225, %parallel_loop3A_223 : vector<16xf32>
        %parallel_loop3A_227 = arith.mulf %parallel_loop3A_168, %parallel_loop3A_226 : vector<16xf32>
        %parallel_loop3A_228 = arith.index_cast %parallel_loop3A_156 : i32 to index
        %parallel_loop3A_229 = arith.constant 0 : index
        %parallel_loop3A_230 = tpu.vector_load %arg13[%parallel_loop3A_228, %parallel_loop3A_229] {strides = array<i32>} : memref<128x128xf32, #tpu.memory_space<vmem>>, vector<16xf32>,
        tpu.vector_store %arg13[%parallel_loop3A_228, %parallel_loop3A_229], %parallel_loop3A_227 {strides = array<i32>} : memref<128x128xf32, #tpu.memory_space<vmem>>, vector<16xf32>,
        %parallel_loop3A_231 = arith.mulf %parallel_loop3A_169, %parallel_loop3A_226 : vector<16xf32>
        %parallel_loop3A_232 = arith.index_cast %parallel_loop3A_156 : i32 to index
        %parallel_loop3A_233 = arith.constant 16 : index
        %parallel_loop3A_234 = tpu.vector_load %arg13[%parallel_loop3A_232, %parallel_loop3A_233] {strides = array<i32>} : memref<128x128xf32, #tpu.memory_space<vmem>>, vector<16xf32>,
        tpu.vector_store %arg13[%parallel_loop3A_232, %parallel_loop3A_233], %parallel_loop3A_231 {strides = array<i32>} : memref<128x128xf32, #tpu.memory_space<vmem>>, vector<16xf32>,
        %parallel_loop3A_235 = arith.mulf %parallel_loop3A_182, %parallel_loop3A_226 : vector<16xf32>
        %parallel_loop3A_236 = arith.index_cast %parallel_loop3A_156 : i32 to index
        %parallel_loop3A_237 = arith.constant 32 : index
        %parallel_loop3A_238 = tpu.vector_load %arg13[%parallel_loop3A_236, %parallel_loop3A_237] {strides = array<i32>} : memref<128x128xf32, #tpu.memory_space<vmem>>, vector<16xf32>,
        tpu.vector_store %arg13[%parallel_loop3A_236, %parallel_loop3A_237], %parallel_loop3A_235 {strides = array<i32>} : memref<128x128xf32, #tpu.memory_space<vmem>>, vector<16xf32>,
        %parallel_loop3A_239 = arith.mulf %parallel_loop3A_183, %parallel_loop3A_226 : vector<16xf32>
        %parallel_loop3A_240 = arith.index_cast %parallel_loop3A_156 : i32 to index
        %parallel_loop3A_241 = arith.constant 48 : index
        %parallel_loop3A_242 = tpu.vector_load %arg13[%parallel_loop3A_240, %parallel_loop3A_241] {strides = array<i32>} : memref<128x128xf32, #tpu.memory_space<vmem>>, vector<16xf32>,
        tpu.vector_store %arg13[%parallel_loop3A_240, %parallel_loop3A_241], %parallel_loop3A_239 {strides = array<i32>} : memref<128x128xf32, #tpu.memory_space<vmem>>, vector<16xf32>,
        %parallel_loop3A_243 = arith.mulf %parallel_loop3A_197, %parallel_loop3A_226 : vector<16xf32>
        %parallel_loop3A_244 = arith.index_cast %parallel_loop3A_156 : i32 to index
        %parallel_loop3A_245 = arith.constant 64 : index
        %parallel_loop3A_246 = tpu.vector_load %arg13[%parallel_loop3A_244, %parallel_loop3A_245] {strides = array<i32>} : memref<128x128xf32, #tpu.memory_space<vmem>>, vector<16xf32>,
        tpu.vector_store %arg13[%parallel_loop3A_244, %parallel_loop3A_245], %parallel_loop3A_243 {strides = array<i32>} : memref<128x128xf32, #tpu.memory_space<vmem>>, vector<16xf32>,
        %parallel_loop3A_247 = arith.mulf %parallel_loop3A_198, %parallel_loop3A_226 : vector<16xf32>
        %parallel_loop3A_248 = arith.index_cast %parallel_loop3A_156 : i32 to index
        %parallel_loop3A_249 = arith.constant 80 : index
        %parallel_loop3A_250 = tpu.vector_load %arg13[%parallel_loop3A_248, %parallel_loop3A_249] {strides = array<i32>} : memref<128x128xf32, #tpu.memory_space<vmem>>, vector<16xf32>,
        tpu.vector_store %arg13[%parallel_loop3A_248, %parallel_loop3A_249], %parallel_loop3A_247 {strides = array<i32>} : memref<128x128xf32, #tpu.memory_space<vmem>>, vector<16xf32>,
        %parallel_loop3A_251 = arith.mulf %parallel_loop3A_212, %parallel_loop3A_226 : vector<16xf32>
        %parallel_loop3A_252 = arith.index_cast %parallel_loop3A_156 : i32 to index
        %parallel_loop3A_253 = arith.constant 96 : index
        %parallel_loop3A_254 = tpu.vector_load %arg13[%parallel_loop3A_252, %parallel_loop3A_253] {strides = array<i32>} : memref<128x128xf32, #tpu.memory_space<vmem>>, vector<16xf32>,
        tpu.vector_store %arg13[%parallel_loop3A_252, %parallel_loop3A_253], %parallel_loop3A_251 {strides = array<i32>} : memref<128x128xf32, #tpu.memory_space<vmem>>, vector<16xf32>,
        %parallel_loop3A_255 = arith.mulf %parallel_loop3A_213, %parallel_loop3A_226 : vector<16xf32>
        %parallel_loop3A_256 = arith.index_cast %parallel_loop3A_156 : i32 to index
        %parallel_loop3A_257 = arith.constant 112 : index
        %parallel_loop3A_258 = tpu.vector_load %arg13[%parallel_loop3A_256, %parallel_loop3A_257] {strides = array<i32>} : memref<128x128xf32, #tpu.memory_space<vmem>>, vector<16xf32>,
        tpu.vector_store %arg13[%parallel_loop3A_256, %parallel_loop3A_257], %parallel_loop3A_255 {strides = array<i32>} : memref<128x128xf32, #tpu.memory_space<vmem>>, vector<16xf32>,
      } {sc.loop_unroll_factor = 4 : i64, sc.parallel_access}
      %mul3A_142 = arith.constant 128 : i32
      %mul3A_143 = arith.muli %add3A_127, %mul3A_142 : i32
      %add3A_144 = arith.addi %mul3A_2, %mul3A_143 : i32
      %dma_start3A_145 = arith.constant 0 : i32
      %dma_start3A_146 = tpu.memref_slice %arg6[%add3A_144, %dma_start3A_145] : memref<131072x128xf32, #tpu.memory_space<hbm>> -> memref<128x128xf32, #tpu.memory_space<hbm>>
      %dma_start3A_147 = arith.constant 0 : i32
      %dma_start3A_148 = tpu.memref_slice %arg6[%add3A_144, %dma_start3A_147] : memref<131072x128xf32, #tpu.memory_space<hbm>> -> memref<128x128xf32, #tpu.memory_space<hbm>>
      tpu.enqueue_dma source(%arg13 : memref<128x128xf32, #tpu.memory_space<vmem>>) target(%dma_start3A_148 : memref<128x128xf32, #tpu.memory_space<hbm>>) target_semaphore(%arg17 : memref<!tpu.dma_semaphore, #tpu.memory_space<semaphore_mem>>)
      %add3A_149 = arith.constant 2 : i32
      %add3A_150 = arith.addi %add3A_127, %add3A_149 : i32
      %lt3A_151 = arith.constant 32 : i32
      %lt3A_152 = arith.cmpi slt, %add3A_150, %lt3A_151 : i32
      %convert_element_type3A_153 = arith.extui %lt3A_152 : i1 to i32
      %cond3A_154 = arith.constant 0 : i32
      %cond3A_155 = arith.cmpi ne, %convert_element_type3A_153, %cond3A_154 : i32
      scf.if %cond3A_155 {
        %add3A_156 = arith.constant 2 : i32
        %add3A_157 = arith.addi %add3A_127, %add3A_156 : i32
        %dma_start3A_158 = arith.constant 0 : i32
        %dma_start3A_159 = tpu.memref_slice %arg9[%add3A_157, %dma_start3A_158] : memref<32x256xi32, #tpu.memory_space<vmem>> -> memref<1x256xi32, #tpu.memory_space<vmem>>
        %dma_start3A_160 = tpu.memref_squeeze %dma_start3A_159 : memref<1x256xi32, #tpu.memory_space<vmem>> -> memref<256xi32, #tpu.memory_space<vmem>>
        %dma_start3A_161 = arith.constant 0 : i32
        %dma_start3A_162 = arith.constant 0 : i32
        %dma_start3A_163 = tpu.memref_slice %arg7[%dma_start3A_161, %dma_start3A_162] : memref<8192x64xi32, #tpu.memory_space<vmem_shared>> -> memref<8192x64xi32, #tpu.memory_space<vmem_shared>>
        tpu.enqueue_indirect_dma source(%dma_start3A_163 : memref<8192x64xi32, #tpu.memory_space<vmem_shared>>) target(%arg11 : memref<256x64xi32, #tpu.memory_space<vmem>>) offsets(%dma_start3A_160 : memref<256xi32, #tpu.memory_space<vmem>>) semaphore(%arg15 : memref<!tpu.dma_semaphore, #tpu.memory_space<semaphore_mem>>)
      } else {
      }
    }
    %scan3A_87 = arith.constant 16 : i32
    %dma_wait3A_88 = arith.constant 0 : i32
    %dma_wait3A_89 = tpu.memref_slice %arg6[%mul3A_2, %dma_wait3A_88] : memref<131072x128xf32, #tpu.memory_space<hbm>> -> memref<128x128xf32, #tpu.memory_space<hbm>>
    %dma_wait3A_90 = arith.constant 0 : i32
    %dma_wait3A_91 = tpu.memref_slice %arg6[%mul3A_2, %dma_wait3A_90] : memref<131072x128xf32, #tpu.memory_space<hbm>> -> memref<128x128xf32, #tpu.memory_space<hbm>>
    tpu.wait_dma2 semaphore(%arg16 : memref<!tpu.dma_semaphore, #tpu.memory_space<semaphore_mem>>) src(%arg12 : memref<128x128xf32, #tpu.memory_space<vmem>>) dst(%dma_wait3A_91 : memref<128x128xf32, #tpu.memory_space<hbm>>)
    %dma_wait3A_92 = arith.constant 0 : i32
    %dma_wait3A_93 = tpu.memref_slice %arg6[%mul3A_2, %dma_wait3A_92] : memref<131072x128xf32, #tpu.memory_space<hbm>> -> memref<128x128xf32, #tpu.memory_space<hbm>>
    %dma_wait3A_94 = arith.constant 0 : i32
    %dma_wait3A_95 = tpu.memref_slice %arg6[%mul3A_2, %dma_wait3A_94] : memref<131072x128xf32, #tpu.memory_space<hbm>> -> memref<128x128xf32, #tpu.memory_space<hbm>>
    tpu.wait_dma2 semaphore(%arg17 : memref<!tpu.dma_semaphore, #tpu.memory_space<semaphore_mem>>) src(%arg13 : memref<128x128xf32, #tpu.memory_space<vmem>>) dst(%dma_wait3A_95 : memref<128x128xf32, #tpu.memory_space<hbm>>)
    return
  }
}

</mosaic_0001>

<sc_bundles>
// kernel: kernel.3.cloned.1.call-start
scs
__scs_entry_jumppad:
0x0: {  	(pc) =	sbr.rel $0x88, $3  }
0x1: {  	(tag) =	ssettag $0x0;
	lr =	simm.s32 $0x1  }
0x2: {  	[smem:$0x3F9D] =	sst lr;
	_ =	strace $0xD0000000  }
0x3: {  	_ = 	snop  }
0x4: {  	_ = 	snop  }
0x5: {  	_ = 	snop  }
0x6: {  	_ = 	snop  }
0x7: {  	_ = 	snop  }
__scs_overlays_trampoline_lowered:
0x8: {  	[smem:$0x3FAC] =	sst s0  }
0x9: {  	[smem:$0x3FAD] =	sst s1  }
0xa: {  	[smem:$0x3FAE] =	sst s2  }
0xb: {  	[smem:$0x3FAF] =	sst s3  }
0xc: {  	[smem:$0x3FB0] =	sst s4  }
0xd: {  	[smem:$0x3FB1] =	sst s5  }
0xe: {  	[smem:$0x3FB2] =	sst s6  }
0xf: {  	[smem:$0x3FB3] =	sst s7  }
0x10: {  	[smem:$0x3FB4] =	sst s8  }
0x11: {  	[smem:$0x3FB5] =	sst s9;
	s0 =	simm.s32 @!p0 $0x0  }
0x12: {  	s1 =	sld [smem:$0x3F9B];
	s0 =	simm.s32 @p0 $0x1  }
0x13: {  	[smem:$0x3FB6] =	sst s0;
	s0 =	simm.s32 @!p1 $0x0  }
0x14: {  	s2 =	sld [smem:$0x3F9A];
	s0 =	simm.s32 @p1 $0x1  }
0x15: {  	[smem:$0x3FB7] =	sst s0;
	s0 =	simm.s32 @!p2 $0x0  }
0x16: {  	s3 =	sld [smem:$0x3FDB];
	s0 =	simm.s32 @p2 $0x1  }
0x17: {  	s4 =	simm.s32 $0x1BF5;
	[smem:$0x3FB9] =	sst s0  }
0x18: {  	s0 =	sld [smem:$0x3F9C];
	_ =	swait.ge [sflag:s4], $0x0  }
0x19: {  	s7 =	sld [smem:$0x3F9D]  }
0x1a: {  	s8 =	sadd.s32 $0xFFFFE003, lr  }
0x1b: {  	s9 =	sadd.s32 $0xFFFFFEF7, lr;
	s5 =	simm.s32 $0xFFFFFFFF;
	p2 =	slt.u32 s8, $0xFFFFF086  }
0x1c: {  	p1 =	slt.u32 s9, $0xF7A;
	s5 =	simm.s32 @!p2 $0x0  }
0x1d: {  	s5 =	simm.s32 @p1 $0x1;
	p0 =	seq.s32 s7, s2  }
0x1e: {  	s7 =	smul.u32 @!p0 $0xF7A, s2;
	p2 =	seq.s32 @!p0 s5, $0x0  }
0x1f: {  	s9 =	smul.u32 $0xF7A, s1;
	s8 =	simm.s32 @!p0 $0x1BF5;
	p2 =	por !p2, p0  }
0x20: {  	[sflag:s8] =	ssyncset.s32 @!p0 $0xFFFFF086;
	s6 =	sadd.s32 @!p0 s3, s7;
	s7 =	simm.s32 @!p0 $0x108  }
0x21: {  	s3 =	sadd.s32 s3, s9;
	s6 =	sadd.s32 @!p0 $0x88, s6;
	s7 =	simm.s32 @p2 $0x1082  }
0x22: {  	[simem:s7], [sflag:s8] =	dma.local @!p0 [hbm:s6], $0xF7A  }
0x23: {  	s9 =	sor.u32 $0xD0000000, s2;
	s6 =	simm.s32 $0x108;
	_ =	swait.ge @!p0 [sflag:s8], $0x0  }
0x24: {  	s3 =	sadd.s32 $0x88, s3;
	s6 =	simm.s32 @!p1 $0x1082;
	[sflag:s4] =	ssyncset.s32 $0xFFFFF086  }
0x25: {  	[simem:s6], [sflag:s4] =	dma.local [hbm:s3], $0xF7A  }
0x26: {  	[smem:$0x3F9D] =	sst s1;
	(tag) =	ssettag s2;
	_ =	strace s9  }
0x27: {  	s1 =	sld [smem:$0x3FAD]  }
0x28: {  	s2 =	sld [smem:$0x3FAE]  }
0x29: {  	s4 =	sld [smem:$0x3FB0]  }
0x2a: {  	p0 =	seq.s32 s5, $0x0;
	s5 =	sld [smem:$0x3FB1]  }
0x2b: {  	s6 =	sld [smem:$0x3FB2]  }
0x2c: {  	s7 =	sld [smem:$0x3FB3]  }
0x2d: {  	s3 =	simm.s32 $0x108;
	s8 =	sld [smem:$0x3FB4]  }
0x2e: {  	s3 =	simm.s32 @!p0 $0x1082;
	s9 =	sld [smem:$0x3FB5]  }
0x2f: {  	lr =	sadd.s32 s0, s3;
	s0 =	sld [smem:$0x3FAC]  }
0x30: {  	s3 =	sld [smem:$0x3FAF]  }
0x31: {  	[smem:$0x3FB8] =	sst s10  }
0x32: {  	s10 =	sld [smem:$0x3FB6];
	_ =	sdelay $0x3  }
0x33: {  	p0 =	seq.s32 s10, $0x1;
	s10 =	sld [smem:$0x3FB8];
	_ =	sdelay $0x3  }
0x34: {  	[smem:$0x3FB8] =	sst s10  }
0x35: {  	s10 =	sld [smem:$0x3FB7];
	_ =	sdelay $0x3  }
0x36: {  	p1 =	seq.s32 s10, $0x1;
	s10 =	sld [smem:$0x3FB8];
	_ =	sdelay $0x3  }
0x37: {  	[smem:$0x3FB8] =	sst s10  }
0x38: {  	s10 =	sld [smem:$0x3FB9]  }
0x39: {  	_ = 	snop;
	(pc) =	sbr.ind lr, $3  }
0x3a: {  	_ = 	snop  }
0x3b: {  	_ = 	snop  }
0x3c: {  	p2 =	seq.s32 s10, $0x1;
	s10 =	sld [smem:$0x3FB8]  }
0x3d: {  	_ =	shalt  }
0x3e: {  	_ =	shalt  }
0x3f: {  	_ =	shalt  }
0x40: {  	_ =	shalt  }
0x41: {  	_ =	shalt  }
0x42: {  	_ =	shalt  }
0x43: {  	_ =	shalt  }
0x44: {  	_ =	shalt  }
0x45: {  	_ =	shalt  }
0x46: {  	_ =	shalt  }
0x47: {  	_ =	shalt  }
0x48: {  	_ =	shalt  }
0x49: {  	_ =	shalt  }
0x4a: {  	_ =	shalt  }
0x4b: {  	_ =	shalt  }
0x4c: {  	_ =	shalt  }
0x4d: {  	_ =	shalt  }
0x4e: {  	_ =	shalt  }
0x4f: {  	_ =	shalt  }
0x50: {  	_ =	shalt  }
0x51: {  	_ =	shalt  }
0x52: {  	_ =	shalt  }
0x53: {  	_ =	shalt  }
0x54: {  	_ =	shalt  }
0x55: {  	_ =	shalt  }
0x56: {  	_ =	shalt  }
0x57: {  	_ =	shalt  }
0x58: {  	_ =	shalt  }
0x59: {  	_ =	shalt  }
0x5a: {  	_ =	shalt  }
0x5b: {  	_ =	shalt  }
0x5c: {  	_ =	shalt  }
0x5d: {  	_ =	shalt  }
0x5e: {  	_ =	shalt  }
0x5f: {  	_ =	shalt  }
0x60: {  	_ =	shalt  }
0x61: {  	_ =	shalt  }
0x62: {  	_ =	shalt  }
0x63: {  	_ =	shalt  }
0x64: {  	_ =	shalt  }
0x65: {  	_ =	shalt  }
0x66: {  	_ =	shalt  }
0x67: {  	_ =	shalt  }
0x68: {  	_ =	shalt  }
0x69: {  	_ =	shalt  }
0x6a: {  	_ =	shalt  }
0x6b: {  	_ =	shalt  }
0x6c: {  	_ =	shalt  }
0x6d: {  	_ =	shalt  }
0x6e: {  	_ =	shalt  }
0x6f: {  	_ =	shalt  }
0x70: {  	_ =	shalt  }
0x71: {  	_ =	shalt  }
0x72: {  	_ =	shalt  }
0x73: {  	_ =	shalt  }
0x74: {  	_ =	shalt  }
0x75: {  	_ =	shalt  }
0x76: {  	_ =	shalt  }
0x77: {  	_ =	shalt  }
0x78: {  	_ =	shalt  }
0x79: {  	_ =	shalt  }
0x7a: {  	_ =	shalt  }
0x7b: {  	_ =	shalt  }
0x7c: {  	_ =	shalt  }
0x7d: {  	_ =	shalt  }
0x7e: {  	_ =	shalt  }
0x7f: {  	_ =	shalt  }
0x80: {  	_ =	shalt  }
0x81: {  	_ =	shalt  }
0x82: {  	_ =	shalt  }
0x83: {  	_ =	shalt  }
0x84: {  	_ =	shalt  }
0x85: {  	_ =	shalt  }
0x86: {  	_ =	shalt  }
0x87: {  	_ =	shalt  }
.Lfunc_end0:
.L_simem_size_0:
called_computation_lowered:
.L_overlay_start_0:
0x88: {  	s2 =	sld [smem:$0x3FD9]  }
0x89: {  	s3 =	sld [smem:$0x3FFE];
	_ =	sdelay $0x1  }
0x8a: {  	s1 =	srdreg.scid  }
0x8b: {  	s0 =	sand.u32 $0x1, s1  }
0x8c: {  	s17 =	sshll.u32 s0, $0xA;
	s2 =	sadd.s32 s3, s2  }
0x8d: {  	s2 =	sadd.s32 s2, s17  }
0x8e: {  	[smem:$0x3FC4] =	sst s2  }
0x8f: {  	_ = 	snop  }
0x90: {  	s2 =	sld [smem:$0x3FC9]  }
0x91: {  	s18 =	sld [smem:$0x3FD0];
	(tm) =	ssettm $0x1  }
0x92: {  	s4 =	sld [smem:$0x3FFB];
	_ =	sdelay $0x3  }
0x93: {  	_ =	strace s4  }
0x94: {  	s4 =	sld [smem:$0x3FFC];
	_ =	sdelay $0x3  }
0x95: {  	_ =	strace s4  }
0x96: {  	s4 =	sld [smem:$0x3FFD];
	_ =	sdelay $0x3  }
0x97: {  	_ =	strace s4  }
0x98: {  	_ =	strace $0x8FFFFFFF  }
0x99: {  	s19 =	sld [smem:$0x3FDB];
	_ =	sdelay $0x1  }
0x9a: {  	s5 =	simm.s32 $_scs_section_size  }
0x9b: {  	s6 =	simm.s32 $_size__tile_overlayer_lowered;
	s7 =	simm.s32 $_tile_overlayer_lowered  }
0x9c: {  	s22 =	simm.s32 $0x1BFF;
	s21 =	sshll.u32 s7, $0x1;
	s4 =	sadd.s32 s5, s19  }
0x9d: {  	s8 =	simm.s32 $0x0;
	s20 =	sshll.u32 s6, $0x1;
	s6 =	sadd.s32 s21, s4  }
0x9e: {  	[timem:s8], [sflag:s22] =	dma.local [hbm:s6], s20  }
0x9f: {  	_ =	swait.ge [sflag:s22], s20  }
0xa0: {  	s5 =	ssub.s32 $0x0, s20;
	[sflag:s22] =	ssyncset.done $0x0  }
0xa1: {  	[sflag:s22] =	ssyncadd.s32 s5;
	_ =	sdelay $0x1  }
0xa2: {  	s23 =	simm.s32 $0x1B8B  }
0xa3: {  	_ =	swait.ge [sflag:s23], $0x1  }
0xa4: {  	[sflag:s23] =	ssyncset.done $0x0  }
0xa5: {  	s25 =	simm.s32 $0x1B8E;
	s24 =	sld [smem:$0x3FFE];
	[sflag:s23] =	ssyncadd.s32 $0xFFFFFFFF  }
0xa6: {  	s26 =	simm.s32 $execute0_lowered;
	[smem:$0x3FD2] =	sst s25  }
0xa7: {  	s6 =	sshll.u32 s26, $0x1;
	_ =	strace $0x80000046;
	[dreg:$0x1] =	wrdreg $0xFFFFFFFF  }
0xa8: {  	s28 =	simm.s32 $_size_execute0_lowered;
	s4 =	sadd.s32 s4, s6;
	[dreg:$0x0] =	wrdreg $0x0  }
0xa9: {  	s6 =	sshll.u32 s28, $0x1;
	[dreg:$0x2] =	wrdreg s4  }
0xaa: {  	[dreg:$0x3] =	wrdreg s6  }
0xab: {  	[dreg:$0x4] =	wrdreg $0xC0  }
0xac: {  	_ =	task [dreg:s8], $0x5FFFF  }
0xad: {  	[dreg:$0x1] =	wrdreg $0xFFFFFFFF  }
0xae: {  	[dreg:$0x0] =	wrdreg $0x60  }
0xaf: {  	[dreg:$0x2] =	wrdreg s2  }
0xb0: {  	[dreg:$0x3] =	wrdreg s24  }
0xb1: {  	[dreg:$0x4] =	wrdreg s18  }
0xb2: {  	[dreg:$0x5] =	wrdreg $0x0  }
0xb3: {  	[dreg:$0x6] =	wrdreg $0x9  }
0xb4: {  	_ =	task.clear_ibuf [dreg:s8], $0x7FFFF;
	_ =	strace $0x90000046  }
0xb5: {  	s29 =	simm.s32 $0x9;
	_ =	strace $0x80000048  }
0xb6: {  	_ =	swait.ge [sflag:s29], $0x1  }
0xb7: {  	[sflag:s29] =	ssyncadd.s32 $0xFFFFFFFF  }
0xb8: {  	_ =	strace $0x90000048  }
0xb9: {  	_ =	sfence  }
0xba: {  	s30 =	sld [smem:$0x0];
	_ =	sdelay $0x2  }
0xbb: {  	s31 =	sshll.u32 s1, $0xD;
	s1 =	sshrl.u32 s1, $0x2  }
0xbc: {  	s3 =	sand.u32 $0x4000, s31;
	s1 =	sadd.s32 s1, s30  }
0xbd: {  	s0 =	sor.u32 s3, s0;
	s1 =	sshll.u32 s1, $0x11  }
0xbe: {  	s0 =	sor.u32 s1, s0  }
0xbf: {  	s0 =	sadd.s32 $0x8F2B, s0  }
0xc0: {  	[sflag:s0] =	ssyncadd.remote.s32 $0x1  }
0xc1: {  	_ =	sfence.sel $0xFFFF  }
0xc2: {  	[dreg:$0x0] =	wrdreg $0xFFFFFFFF;
	(pc) =	sbr.abs _section_cstart, $3  }
0xc3: {  	[dreg:$0x1] =	wrdreg $0xFFFFFFFF  }
0xc4: {  	_ =	task.clear_ibuf [dreg:s8], $0x2FFFF;
	_ =	strace $0x9FFFFFFF  }
0xc5: {  	(tm) =	ssettm $0x7FFFFFFF  }
tec
execute0_lowered:
.L_overlay_start_1:
0x0: {  	(tag) =	ssettag $0x1  }
0x1: {  	s6 =	rddreg [dreg:$0x1]  }
0x2: {  	s0 =	rddreg [dreg:$0x2]  }
0x3: {  	s1 =	srdreg.scid;
	s8 =	stileid.u32  }
0x4: {  	s4 =	rddreg [dreg:$0x3];
	s5 =	simm.s32 $0x0;
	s17 =	simm.s32 $0x5  }
0x5: {  	s18 =	simm.s32 $0x80;
	s19 =	simm.s32 $0xB000;
	s20 =	simm.s32 $0xD000  }
0x6: {  	s21 =	simm.s32 $0x1;
	s23 =	simm.s32 $0x100;
	s28 =	simm.s32 $0x2  }
0x7: {  	s29 =	simm.s32 $0x4;
	s30 =	simm.s32 $0x17000;
	s31 =	simm.s32 $0x3  }
0x8: {  	s11 =	simm.s32 $0x11100;
	s1 =	sand.u32 $0x1, s1;
	s2 =	sshll.u32 s8, $0x1  }
0x9: {  	[smem:$0x7FF] =	sst s5;
	s25 =	sshll.u32 s8, $0xE;
	s9 =	sshll.u32 s8, $0x8  }
0xa: {  	s2 =	sor.u32 s1, s2;
	s1 =	ssub.s32 $0x2, s1;
	_ =	strace $0x80000047  }
0xb: {  	s8 =	sor.u32 $0x8000, s9;
	s3 =	sshll.u32 s2, $0xA;
	s7 =	sshrl.u32 s1, $0x1  }
0xc: {  	s2 =	sshll.u32 s2, $0x10;
	s3 =	sadd.s32 s3, s6;
	s6 =	sadd.s32 $0x2000, s6  }
.Ltmp0:
0xd: {  	s1 =	ssub.s32 s1, s7;
	s7 =	sadd.s32 s25, s4;
	(pc) =	sbr.rel .LBB2_1-.Ltmp0, $4  }
0xe: {  	s14 =	sadd.s32 s0, s2;
	s25 =	simm.s32 $0xF000;
	s10 =	sadd.s32 $0x40000, s7  }
0xf: {  	s26 =	sadd.s32 $0x2000, s7;
	s12 =	sadd.s32 $0x42000, s7;
	s13 =	sadd.s32 $0x4000, s3  }
0x10: {  	s15 =	smax.u32 s1, $0x1;
	s3 =	simm.s32 $0x0;
	[dreg:$0x5] =	wrdreg s10  }
0x11: {  	s10 =	sor.u32 $0x8080, s9;
	[dreg:$0x6] =	wrdreg s26;
	s26 =	simm.s32 $0x13000  }
.LBB2_12:
0x12: {  	s3 =	sadd.s32 $0x1, s3  }
0x13: {  	_ =	swait.ge [sflag:s31], $0x4000;
	p0 =	sne.s32 s3, s15  }
.Ltmp1:
0x14: {  	[sflag:s31] =	ssyncset.done $0x0;
	(pc) =	sbr.rel @!p0 .LBB2_13-.Ltmp1, $4  }
0x15: {  	[sflag:s31] =	ssyncadd.s32 $0xFFFFC000  }
0x16: {  	_ =	swait.ge [sflag:s29], $0x4000  }
0x17: {  	[sflag:s29] =	ssyncset.done $0x0  }
0x18: {  	[sflag:s29] =	ssyncadd.s32 $0xFFFFC000  }
.LBB2_1:
0x19: {  	s0 =	rddreg [dreg:$0x0];
	s1 =	simm.s32 $0x8000  }
0x1a: {  	[tilespmem:s1], [sflag:$0x5] =	stream.linear.gather [hbm4b:s0+s5], $0x1000, $0x38;
	[tilespmem:$0x1B000] =	vst v63  }
0x1b: {  	_ =	swait.ge [sflag:s17], $0x1000  }
0x1c: {  	[sflag:s17] =	ssyncset.done $0x0  }
0x1d: {  	[sflag:s17] =	ssyncadd.s32 $0xFFFFF000  }
0x1e: {  	s2 =	rddreg [dreg:$0x1]  }
0x1f: {  	[tilespmem:s19], [sflag:$0x1] =	stream.indirect.gather [hbm4b:s2+s18], $0x40, s8, s18, $0xb8;
	[tilespmem:$0x1B000] =	vst v63  }
0x20: {  	_ = 	snop  }
0x21: {  	[tilespmem:s20], [sflag:$0x1] =	stream.indirect.gather [hbm4b:s6+s18], $0x40, s8, s18, $0xb8;
	[tilespmem:$0x1B000] =	vst v63  }
0x22: {  	_ =	swait.ge [sflag:s21], $0x2000  }
0x23: {  	[sflag:s21] =	ssyncset.done $0x0  }
0x24: {  	[sflag:s21] =	ssyncadd.s32 $0xFFFFE000  }
0x25: {  	_ =	swait.ge [sflag:s21], $0x2000  }
0x26: {  	[sflag:s21] =	ssyncset.done $0x0  }
0x27: {  	[sflag:s21] =	ssyncadd.s32 $0xFFFFE000  }
0x28: {  	[spmem:s7] =	stream.linear.scatter [tilespmem:s19], [sflag:$0x5], $0x2000, $0x38;
	[tilespmem:$0x1B000] =	vst v63  }
0x29: {  	_ =	swait.ge [sflag:s17], $0x2000  }
0x2a: {  	[sflag:s17] =	ssyncset.done $0x0  }
0x2b: {  	s9 =	rddreg [dreg:$0x5];
	[sflag:s17] =	ssyncadd.s32 $0xFFFFE000  }
0x2c: {  	[spmem:s9] =	stream.linear.scatter [tilespmem:s20], [sflag:$0x5], $0x2000, $0x38;
	[tilespmem:$0x1B000] =	vst v63  }
0x2d: {  	_ =	swait.ge [sflag:s17], $0x2000  }
0x2e: {  	[sflag:s17] =	ssyncset.done $0x0  }
0x2f: {  	[sflag:s17] =	ssyncadd.s32 $0xFFFFE000  }
0x30: {  	[tilespmem:s19], [sflag:$0x1] =	stream.indirect.gather [hbm4b:s2+s18], $0x40, s10, s18, $0xb8;
	[tilespmem:$0x1B000] =	vst v63  }
0x31: {  	_ = 	snop  }
0x32: {  	[tilespmem:s20], [sflag:$0x1] =	stream.indirect.gather [hbm4b:s6+s18], $0x40, s10, s18, $0xb8;
	[tilespmem:$0x1B000] =	vst v63  }
0x33: {  	_ =	swait.ge [sflag:s21], $0x2000  }
0x34: {  	[sflag:s21] =	ssyncset.done $0x0  }
0x35: {  	[sflag:s21] =	ssyncadd.s32 $0xFFFFE000  }
0x36: {  	_ =	swait.ge [sflag:s21], $0x2000  }
0x37: {  	[sflag:s21] =	ssyncset.done $0x0  }
0x38: {  	s16 =	rddreg [dreg:$0x6];
	[sflag:s21] =	ssyncadd.s32 $0xFFFFE000  }
0x39: {  	[spmem:s16] =	stream.linear.scatter [tilespmem:s19], [sflag:$0x5], $0x2000, $0x38;
	[tilespmem:$0x1B000] =	vst v63  }
0x3a: {  	_ =	swait.ge [sflag:s17], $0x2000  }
0x3b: {  	[sflag:s17] =	ssyncset.done $0x0  }
0x3c: {  	[sflag:s17] =	ssyncadd.s32 $0xFFFFE000  }
0x3d: {  	[spmem:s12] =	stream.linear.scatter [tilespmem:s20], [sflag:$0x5], $0x2000, $0x38;
	[tilespmem:$0x1B000] =	vst v63  }
0x3e: {  	_ =	swait.ge [sflag:s17], $0x2000  }
0x3f: {  	[sflag:s17] =	ssyncset.done $0x0  }
0x40: {  	s22 =	simm.s32 $0x9000;
	[sflag:s17] =	ssyncadd.s32 $0xFFFFE000  }
0x41: {  	[tilespmem:s22], [sflag:$0x5] =	stream.linear.gather [hbm4b:s13+s5], $0x2000, $0x38;
	[tilespmem:$0x1B000] =	vst v63  }
0x42: {  	_ =	swait.ge [sflag:s17], $0x2000  }
0x43: {  	[sflag:s17] =	ssyncset.done $0x0  }
0x44: {  	[sflag:s17] =	ssyncadd.s32 $0xFFFFE000  }
0x45: {  	[bflag:$0x0] =	sbarrier.arrive $0xFFFF  }
0x46: {  	[tilespmem:s19], [sflag:$0x1] =	stream.indirect.gather [spmem:s4], $0x40, s22, s23, $0xb8;
	[tilespmem:$0x1B000] =	vst v63  }
0x47: {  	s24 =	simm.s32 $0x9100;
	s0 =	simm.s32 $0x0  }
0x48: {  	[tilespmem:s25], [sflag:$0x2] =	stream.indirect.gather [spmem:s4], $0x40, s24, s23, $0xb8;
	[tilespmem:$0x1B000] =	vst v63  }
.LBB2_2:
0x49: {  	_ =	swait.ge [sflag:s21], $0x4000  }
0x4a: {  	p0 =	seq.s32 s0, $0x0;
	[sflag:s21] =	ssyncset.done $0x0  }
0x4b: {  	s1 =	simm.s32 @!p0 $0x3;
	[sflag:s21] =	ssyncadd.s32 $0xFFFFC000  }
0x4c: {  	_ =	swait.ge @!p0 [sflag:s1], $0x4000  }
0x4d: {  	[sflag:s1] =	ssyncset.done @!p0 $0x0  }
0x4e: {  	s24 =	simm.s32 $0xD000;
	[sflag:s1] =	ssyncadd.s32 @!p0 $0xFFFFC000  }
0x4f: {  	v0 =	vld [tilespmem:s24+$0x0]  }
0x50: {  	v1 =	vld [tilespmem:s24+$0x70]  }
0x51: {  	v2 =	vld [tilespmem:s24+$0x10]  }
0x52: {  	v3 =	vld [tilespmem:s24+$0x90]  }
0x53: {  	v4 =	vld [tilespmem:s24+$0xFFFFE090]  }
0x54: {  	v5 =	vld [tilespmem:s24+$0xFFFFE010]  }
0x55: {  	v6 =	vld [tilespmem:s24+$0x80]  }
0x56: {  	v7 =	vld [tilespmem:s24+$0x20]  }
0x57: {  	v8 =	vld [tilespmem:s24+$0x50]  }
0x58: {  	v9 =	vld [tilespmem:s24+$0xFFFFE020]  }
0x59: {  	v10 =	vld [tilespmem:s24+$0xFFFFE0E0]  }
0x5a: {  	v11 =	vld [tilespmem:s24+$0xFFFFE080]  }
0x5b: {  	v12 =	vld [tilespmem:s24+$0x40]  }
0x5c: {  	v14 =	vld [tilespmem:s24+$0xC0]  }
0x5d: {  	v16 =	vld [tilespmem:s24+$0xF0]  }
0x5e: {  	v15 =	vld [tilespmem:s24+$0xFFFFE0C0]  }
0x5f: {  	v13 =	vld [tilespmem:s24+$0xFFFFE000]  }
0x60: {  	v18 =	vld [tilespmem:s24+$0xFFFFE040]  }
0x61: {  	v19 =	vld [tilespmem:s24+$0xFFFFE050]  }
0x62: {  	v20 =	vld [tilespmem:s24+$0xD0]  }
0x63: {  	v22 =	vld [tilespmem:s24+$0xE0]  }
0x64: {  	v21 =	vld [tilespmem:s24+$0xFFFFE0D0]  }
0x65: {  	v23 =	vld [tilespmem:s24+$0xFFFFE070]  }
0x66: {  	v24 =	vld [tilespmem:s24+$0xFFFFE0F0];
	v0 =	vmul.bf16 v0, v13  }
0x67: {  	v27 =	vld [tilespmem:s24+$0x60];
	v2 =	vmul.bf16 v2, v5  }
0x68: {  	v6 =	vmul.bf16 v6, v11;
	v11 =	vld [tilespmem:s24+$0x30];
	v49 =	vunpack.i.l.bf16.f32 v0;
	v51 =	vunpack.i.u.bf16.f32 v0  }
0x69: {  	v3 =	vmul.bf16 v3, v4;
	v4 =	vmul.bf16 v7, v9;
	v7 =	vld [tilespmem:s24+$0xFFFFE030];
	v5 =	vadd.f32 v49, v51  }
0x6a: {  	v9 =	vld [tilespmem:s24+$0xFFFFE0A0];
	v30 =	vunpack.i.l.bf16.f32 v2  }
0x6b: {  	v12 =	vmul.bf16 v12, v18;
	v18 =	vld [tilespmem:s24+$0xB0];
	v29 =	vunpack.i.u.bf16.f32 v6;
	v5 =	vadd.f32 v30, v5  }
0x6c: {  	v0 =	vld [tilespmem:s24+$0xFFFFE060];
	v41 =	vunpack.i.l.bf16.f32 v6;
	v25 =	vunpack.i.u.bf16.f32 v2;
	v17 =	vunpack.i.l.bf16.f32 v3  }
0x6d: {  	v2 =	vld [tilespmem:s24+$0xA0];
	v26 =	vunpack.i.u.bf16.f32 v3;
	v3 =	vmul.bf16 v14, v15;
	v5 =	vadd.f32 v5, v25  }
0x6e: {  	s9 =	simm.s32 $0xD100;
	v14 =	vld [tilespmem:s24+$0xFFFFE0B0];
	v13 =	vunpack.i.l.bf16.f32 v4;
	v28 =	vunpack.i.u.bf16.f32 v4;
	v6 =	vadd.f32 v41, v29  }
0x6f: {  	v15 =	vld [tilespmem:s9+$0x0];
	[tilespmem:$0x1FF60] =	vst v28;
	v4 =	vmul.bf16 v11, v7;
	v7 =	vunpack.i.l.bf16.f32 v3;
	v5 =	vadd.f32 v13, v5  }
0x70: {  	v35 =	vmov v13;
	v40 =	vld [tilespmem:s9+$0x70];
	v6 =	vadd.f32 v17, v6;
	[tilespmem:$0x1FF80] =	vst v7;
	v13 =	vunpack.i.u.bf16.f32 v3  }
0x71: {  	v10 =	vmul.bf16 v22, v10;
	v16 =	vmul.bf16 v16, v24;
	[tilespmem:$0x1FF70] =	vst v13;
	v5 =	vadd.f32 v5, v28  }
0x72: {  	v37 =	vunpack.i.l.bf16.f32 v4;
	v2 =	vmul.bf16 v2, v9;
	v6 =	vadd.f32 v6, v26;
	v9 =	vld [tilespmem:s9+$0x10]  }
0x73: {  	v3 =	vmul.bf16 v8, v19;
	v8 =	vunpack.i.u.bf16.f32 v12;
	v46 =	vld [tilespmem:s9+$0x90];
	v5 =	vadd.f32 v37, v5  }
0x74: {  	v11 =	vmul.bf16 v20, v21;
	v21 =	vmovc v8;
	v8 =	vunpack.i.u.bf16.f32 v4;
	v28 =	vunpack.i.l.bf16.f32 v2;
	v4 =	vld [tilespmem:s9+$0xFFFFE090]  }
0x75: {  	v31 =	vmovc v26;
	v26 =	vunpack.i.l.bf16.f32 v12;
	v22 =	vld [tilespmem:s9+$0xFFFFE010];
	v6 =	vadd.f32 v28, v6;
	v5 =	vadd.f32 v5, v8  }
0x76: {  	v32 =	vunpack.i.u.bf16.f32 v2;
	v7 =	vadd.f32 v7, v13;
	v2 =	vmul.bf16 v18, v14;
	v12 =	vld [tilespmem:s9+$0x80]  }
0x77: {  	v18 =	vunpack.i.l.bf16.f32 v11;
	v14 =	vadd.f32 v26, v21;
	v20 =	vld [tilespmem:s9+$0x50];
	(xrf2) =	vadd.scan.msk.f32 $0xffff, v5;
	v5 =	vadd.f32 v6, v32  }
0x78: {  	v33 =	vmovc v8;
	v47 =	vld [tilespmem:s9+$0xFFFFE020];
	v7 =	vadd.f32 v18, v7;
	v39 =	vunpack.i.l.bf16.f32 v2;
	v8 =	vunpack.i.u.bf16.f32 v11  }
0x79: {  	v0 =	vmul.bf16 v27, v0;
	v42 =	vunpack.i.l.bf16.f32 v3;
	v6 =	vld [tilespmem:s9+$0x20];
	[tilespmem:$0x1FF90] =	vst v8;
	v5 =	vadd.f32 v39, v5  }
0x7a: {  	v44 =	vunpack.i.u.bf16.f32 v2;
	v11 =	vadd.f32 v42, v14;
	v7 =	vadd.f32 v7, v8;
	v2 =	vld [tilespmem:s9+$0xFFFFE0E0]  }
0x7b: {  	v19 =	vunpack.i.l.bf16.f32 v10;
	v36 =	vunpack.i.u.bf16.f32 v3;
	v27 =	vld [tilespmem:s9+$0x40];
	v3 =	vadd.f32 v5, v44  }
0x7c: {  	v14 =	vadd.f32 v11, v36;
	v8 =	vunpack.i.u.bf16.f32 v10;
	v7 =	vadd.f32 v19, v7;
	v5 =	vld [tilespmem:s9+$0xFFFFE080]  }
0x7d: {  	v1 =	vmul.bf16 v1, v23;
	v43 =	vunpack.i.l.bf16.f32 v0;
	(xrf2) =	vadd.scan.msk.f32 $0xffff, v3;
	v3 =	vld [tilespmem:s9+$0xC0];
	[tilespmem:$0x1FFA0] =	vst v8  }
0x7e: {  	v10 =	vadd.f32 v43, v14;
	v7 =	vadd.f32 v7, v8;
	v8 =	vunpack.i.l.bf16.f32 v16;
	v14 =	vld [tilespmem:s9+$0xF0]  }
0x7f: {  	v45 =	vunpack.i.u.bf16.f32 v0;
	v0 =	vld [tilespmem:s9+$0xFFFFE0C0];
	[tilespmem:$0x1FFB0] =	vst v8  }
0x80: {  	v38 =	vunpack.i.l.bf16.f32 v1;
	v7 =	vadd.f32 v8, v7;
	v8 =	vunpack.i.u.bf16.f32 v16;
	v24 =	vld [tilespmem:s9+$0xFFFFE000]  }
0x81: {  	v4 =	vmul.bf16 v46, v4;
	v11 =	vunpack.i.u.bf16.f32 v1;
	v1 =	vadd.f32 v10, v45;
	v16 =	vld [tilespmem:s9+$0xFFFFE040];
	[tilespmem:$0x1FFC0] =	vst v8  }
0x82: {  	v5 =	vmul.bf16 v12, v5;
	v48 =	vld [tilespmem:s9+$0xFFFFE050]  }
0x83: {  	v23 =	vunpack.i.l.bf16.f32 v4;
	v1 =	vadd.f32 v38, v1;
	v60 =	vadd.f32 v7, v8;
	v61 =	vld [tilespmem:s9+$0xE0];
	v10, _, _ =	vpop (xrf2)  }
0x84: {  	v62 =	vld [tilespmem:s9+$0x60];
	v7 =	vmax.f32 v10, $9.999999960e-13;
	v12 =	vunpack.i.l.bf16.f32 v5;
	v10 =	vunpack.i.u.bf16.f32 v4  }
0x85: {  	v4 =	vld [tilespmem:s9+$0xFFFFE070];
	v50 =	vbroadcast v7, $0xF;
	v7 =	vunpack.i.u.bf16.f32 v5;
	v0 =	vmul.bf16 v3, v0  }
0x86: {  	v54 =	vmul.bf16 v6, v47;
	v5 =	vld [tilespmem:s9+$0xD0];
	v6 =	vadd.f32 v12, v7  }
0x87: {  	v22 =	vmul.bf16 v9, v22;
	v1 =	vadd.f32 v1, v11;
	v3 =	vld [tilespmem:s9+$0xFFFFE0D0];
	v8 =	vunpack.i.l.bf16.f32 v0  }
0x88: {  	v34 =	vmovc v11;
	v11 =	vunpack.i.u.bf16.f32 v0;
	v53 =	vadd.f32 v23, v6;
	v6 =	vmul.bf16 v27, v16;
	v16 =	vld [tilespmem:s9+$0xFFFFE0F0];
	[tilespmem:$0x1FFD0] =	vst v8  }
0x89: {  	(xrf2) =	vadd.scan.msk.f32 $0xffff, v1;
	v1 =	vmul.bf16 v15, v24;
	(erf) = vrcp.f32 v50;
	[tilespmem:$0x1FFE0] =	vst v11  }
0x8a: {  	v48 =	vmul.bf16 v20, v48;
	v52 =	vmul.bf16 v61, v2;
	v56 =	vld [tilespmem:s9+$0xFFFFE060]  }
0x8b: {  	v13 =	vunpack.i.l.bf16.f32 v1;
	v55 =	vadd.f32 v8, v11;
	v15 =	vunpack.i.u.bf16.f32 v1  }
0x8c: {  	[tilespmem:$0x1FFF0] =	vst v13;
	v4 =	vmul.bf16 v40, v4;
	v1 =	vmul.bf16 v5, v3;
	v3 =	vadd.f32 v13, v15  }
0x8d: {  	v27 =	vunpack.i.l.bf16.f32 v22;
	v20 =	vunpack.i.u.bf16.f32 v6;
	v24 =	vunpack.i.l.bf16.f32 v6;
	v2 =	vld [tilespmem:s9+$0x30]  }
0x8e: {  	v40 =	vunpack.i.u.bf16.f32 v4;
	v3 =	vadd.f32 v27, v3;
	v5 =	vmul.bf16 v14, v16;
	v16 =	vld [tilespmem:s9+$0xFFFFE030]  }
0x8f: {  	v46 =	vunpack.i.l.bf16.f32 v4;
	v4 =	vmul.bf16 v62, v56;
	v56 =	vunpack.i.u.bf16.f32 v22  }
0x90: {  	v0, _, _ =	vpop (xrf2);
	(xrf2) =	vadd.scan.msk.f32 $0xffff, v60;
	v6 =	vunpack.i.l.bf16.f32 v1;
	v14 =	vunpack.i.u.bf16.f32 v1;
	v1 =	vadd.f32 v3, v56  }
0x91: {  	v0 =	vmax.f32 v0, $9.999999960e-13;
	v60 =	vadd.f32 v6, v55;
	v55 =	vunpack.i.l.bf16.f32 v54  }
0x92: {  	v0 =	vbroadcast v0, $0xF;
	v63 =	vadd.f32 v24, v20;
	v1 =	vadd.f32 v55, v1  }
0x93: {  	v47 =	vunpack.i.u.bf16.f32 v48;
	v54 =	vunpack.i.u.bf16.f32 v54;
	v2 =	vmul.bf16 v2, v16  }
0x94: {  	v48 =	vunpack.i.l.bf16.f32 v48;
	(erf) = vrcp.f32 v0;
	v3, _, _ =	vpop (xrf2);
	v1 =	vadd.f32 v1, v54  }
0x95: {  	v0 =	vadd.f32 v48, v63;
	v3 =	vmax.f32 v3, $9.999999960e-13;
	v57 =	vunpack.i.l.bf16.f32 v2  }
0x96: {  	v22 =	vunpack.i.l.bf16.f32 v5;
	v63 =	vpop (erf);
	v3 =	vbroadcast v3, $0xF;
	v1 =	vadd.f32 v57, v1  }
0x97: {  	v61 =	vld [tilespmem:s9+$0xFFFFE0B0];
	v0 =	vadd.f32 v0, v47;
	v50 =	vunpack.i.u.bf16.f32 v4;
	v51 =	vmul.f32 v63, v51  }
0x98: {  	v62 =	vld [tilespmem:s9+$0xB0];
	v16 =	vunpack.i.u.bf16.f32 v5;
	(erf) = vrcp.f32 v3;
	v3 =	vmul.f32 v63, v49  }
0x99: {  	s16 =	simm.s32 $0x13100;
	s22 =	simm.s32 $0x4;
	v5 =	vmul.f32 v63, v30;
	v59 =	vunpack.i.u.bf16.f32 v2;
	v49 =	vunpack.i.l.bf16.f32 v4;
	v2 =	vld [tilespmem:s9+$0xA0]  }
0x9a: {  	s2 =	simm.s32 $0xD200;
	s1 =	sshll.u32 s0, $0xB;
	s24 =	simm.s32 $0x13100;
	v30 =	vunpack.i.l.bf16.f32 v52;
	v58 =	vadd.f32 v49, v0;
	[tilespmem:s16+$0xFFFFFF00] =	vst v3;
	v3 =	vld [tilespmem:s9+$0xFFFFE0A0];
	v4 =	vadd.f32 v1, v59;
	v1, _, _ =	vpop (xrf2)  }
.LBB2_3:
0x9b: {  	_ =	sdelay $0x1  }
0x9c: {  	v0 =	vld [tilespmem:s2+$0x0]  }
0x9d: {  	[tilespmem:$0x1FF20] =	vst v15;
	v8 =	vadd.f32 v60, v14;
	v13 =	vmov v56;
	v56 =	vld [tilespmem:s2+$0x70]  }
0x9e: {  	v11 =	vmul.f32 v63, v35;
	v1 =	vmax.f32 v1, $9.999999960e-13;
	[tilespmem:$0x1FF30] =	vst v13;
	v2 =	vmul.bf16 v2, v3;
	v3 =	vld [tilespmem:$0x1FF60]  }
0x9f: {  	v60 =	vld [tilespmem:s2+$0x10];
	v13 =	vadd.f32 v58, v50;
	(xrf2) =	vadd.scan.msk.f32 $0xffff, v4;
	v4 =	vadd.f32 v53, v10;
	[tilespmem:s24+$0xFFFFFF20] =	vst v5  }
0xa0: {  	v9 =	vmovc v54;
	v5 =	vmul.f32 v63, v37;
	v53 =	vld [tilespmem:s2+$0x90];
	v58 =	vunpack.i.u.bf16.f32 v52;
	[tilespmem:s24+$0xFFFFFF40] =	vst v11;
	v25 =	vmul.f32 v63, v25  }
0xa1: {  	v1 =	vbroadcast v1, $0xF;
	v13 =	vadd.f32 v46, v13;
	[tilespmem:$0x1FF60] =	vst v9;
	v9 =	vld [tilespmem:s2+$0xFFFFE090];
	v15 =	vunpack.i.l.bf16.f32 v2  }
0xa2: {  	v54 =	vmul.bf16 v62, v61;
	v61 =	vld [tilespmem:s2+$0x50];
	[tilespmem:s24+$0xFFFFFF30] =	vst v25;
	v25 =	vmul.f32 v63, v33;
	v4 =	vadd.f32 v15, v4  }
0xa3: {  	[tilespmem:$0x1FF40] =	vst v27;
	v2 =	vunpack.i.u.bf16.f32 v2;
	v33 =	vmov v59;
	v52 =	vld [tilespmem:s2+$0xFFFFE010];
	v11 =	vpop (erf);
	v3 =	vmul.f32 v63, v3  }
0xa4: {  	[tilespmem:s24+$0xFFFFFF70] =	vst v25;
	v59 =	vpop (erf);
	v62 =	vmul.f32 v11, v32;
	v32 =	vmov v2;
	v4 =	vadd.f32 v4, v2;
	v2 =	vld [tilespmem:s2+$0xC0]  }
0xa5: {  	v63 =	vmul.f32 v59, v21;
	v21 =	vmul.f32 v59, v38;
	v38 =	vmov v46;
	v46 =	vld [tilespmem:s2+$0xFFFFE0F0];
	[tilespmem:s24+$0xFFFFFF50] =	vst v3  }
0xa6: {  	v35 =	vmovc v55;
	v55 =	vld [tilespmem:s2+$0x20];
	[tilespmem:s24+$0xFFFFFF60] =	vst v5;
	v5 =	vmul.f32 v11, v41;
	v41 =	vmul.f32 v11, v17;
	v17 =	vmov v15  }
0xa7: {  	v27 =	vmov v23;
	v23 =	vld [tilespmem:s2+$0xFFFFE020];
	[tilespmem:$0x1FF50] =	vst v17  }
0xa8: {  	(erf) = vrcp.f32 v1;
	v1 =	vld [tilespmem:s2+$0xFFFFE000];
	[tilespmem:s24+$0xFFFFFF10] =	vst v51  }
0xa9: {  	v8 =	vadd.f32 v30, v8;
	v3 =	vld [tilespmem:s2+$0x80];
	v17 =	vmul.f32 v11, v39;
	[tilespmem:s24+$0x0] =	vst v5  }
0xaa: {  	v37 =	vmovc v57;
	v57 =	vunpack.i.l.bf16.f32 v54;
	v54 =	vunpack.i.u.bf16.f32 v54;
	v29 =	vmul.f32 v11, v29;
	v15 =	vld [tilespmem:s2+$0xFFFFE0E0];
	[tilespmem:s24+$0x20] =	vst v41  }
0xab: {  	v25 =	vmul.f32 v11, v31;
	v4 =	vadd.f32 v57, v4;
	v5 =	vmul.f32 v11, v28;
	v41 =	vld [tilespmem:s2+$0xFFFFE080];
	[tilespmem:s24+$0x60] =	vst v17  }
0xac: {  	v9 =	vmul.bf16 v53, v9;
	v53, _, _ =	vpop (xrf2);
	v39 =	vmov v57;
	v57 =	vld [tilespmem:s2+$0xFFFFE040];
	v11 =	vmul.f32 v11, v44;
	[tilespmem:s24+$0x50] =	vst v62  }
0xad: {  	v42 =	vmul.f32 v59, v42;
	v4 =	vadd.f32 v4, v54;
	v28 =	vmax.f32 v53, $9.999999960e-13;
	v62 =	vld [tilespmem:s2+$0xFFFFE0C0];
	[tilespmem:s24+$0x40] =	vst v5  }
0xae: {  	v8 =	vadd.f32 v8, v58;
	v13 =	vadd.f32 v13, v40;
	v31 =	vmovc v10;
	v10 =	vunpack.i.u.bf16.f32 v9;
	v5 =	vld [tilespmem:s2+$0x40];
	[tilespmem:s24+$0x70] =	vst v11  }
0xaf: {  	(xrf2) =	vadd.scan.msk.f32 $0xffff, v4;
	v4 =	vmul.f32 v59, v26;
	v17 =	vmul.f32 v59, v45;
	v11 =	vld [tilespmem:s2+$0xF0];
	[tilespmem:s24+$0xFFFFFFA0] =	vst v42  }
0xb0: {  	v26 =	vbroadcast v28, $0xF;
	[tilespmem:s24+$0x10] =	vst v29;
	(xrf2) =	vadd.scan.msk.f32 $0xffff, v13;
	v28 =	vmovc v20;
	v20 =	vld [tilespmem:s2+$0xFFFFE050];
	v3 =	vmul.bf16 v3, v41  }
0xb1: {  	[tilespmem:s24+$0xFFFFFFD0] =	vst v17;
	v17 =	vmul.f32 v59, v34;
	v34 =	vmovc v40;
	v40 =	vld [tilespmem:s2+$0xE0];
	v55 =	vmul.bf16 v55, v23;
	v23 =	vunpack.i.l.bf16.f32 v9  }
0xb2: {  	v29 =	vmovc v7;
	[tilespmem:s24+$0xFFFFFFE0] =	vst v21;
	v21 =	vld [tilespmem:$0x1FFB0];
	v9 =	vmul.f32 v59, v43;
	v41 =	vmovc v12;
	v7 =	vunpack.i.u.bf16.f32 v3;
	v12 =	vunpack.i.l.bf16.f32 v3  }
0xb3: {  	v13 =	vmul.f32 v59, v36;
	v0 =	vmul.bf16 v0, v1;
	v1 =	vld [tilespmem:s2+$0xFFFFE0D0];
	[tilespmem:s24+$0xFFFFFFF0] =	vst v17;
	v3 =	vadd.f32 v12, v7  }
0xb4: {  	v8 =	vadd.f32 v22, v8;
	[tilespmem:s24+$0xFFFFFFC0] =	vst v9;
	v9 =	vld [tilespmem:s2+$0xD0]  }
0xb5: {  	v53 =	vadd.f32 v23, v3;
	v3 =	vmul.bf16 v5, v57;
	v5 =	vld [tilespmem:s2+$0xFFFFE070];
	[tilespmem:s24+$0xFFFFFFB0] =	vst v13  }
0xb6: {  	v8 =	vadd.f32 v8, v16;
	v45 =	vmov v50;
	v2 =	vmul.bf16 v2, v62;
	[tilespmem:s24+$0xFFFFFF90] =	vst v63  }
0xb7: {  	v50 =	vmul.bf16 v60, v52;
	v36 =	vmov v47;
	v11 =	vmul.bf16 v11, v46;
	v47 =	vld [tilespmem:s2+$0x60];
	[tilespmem:s24+$0xFFFFFF80] =	vst v4;
	v4 =	vpop (erf)  }
0xb8: {  	(xrf2) =	vadd.scan.msk.f32 $0xffff, v8;
	v8 =	vunpack.i.u.bf16.f32 v2;
	v2 =	vunpack.i.l.bf16.f32 v2;
	v59 =	vmul.f32 v4, v21  }
0xb9: {  	v51 =	vld [tilespmem:s2+$0x30];
	v52 =	vmul.bf16 v40, v15;
	v13 =	vunpack.i.l.bf16.f32 v0;
	v1 =	vmul.bf16 v9, v1  }
0xba: {  	v0 =	vunpack.i.u.bf16.f32 v0;
	v9 =	vmovc v22;
	v15 =	vmul.f32 v4, v19;
	[tilespmem:s24+$0xE0] =	vst v59;
	v59 =	vld [tilespmem:s2+$0xFFFFE030];
	v5 =	vmul.bf16 v56, v5  }
0xbb: {  	v43 =	vmovc v49;
	v49 =	vadd.f32 v2, v8;
	[tilespmem:$0x1FFB0] =	vst v9;
	v9 =	vadd.f32 v13, v0;
	v22 =	vunpack.i.l.bf16.f32 v1  }
0xbc: {  	v21 =	vmovc v6;
	v6 =	vmovc v22;
	v40 =	vunpack.i.u.bf16.f32 v5;
	v46 =	vunpack.i.l.bf16.f32 v5;
	v5 =	vmul.f32 v4, v18  }
0xbd: {  	[tilespmem:s24+$0xC0] =	vst v15;
	v60 =	vadd.f32 v6, v49;
	v49 =	vld [tilespmem:$0x1FFD0];
	v18 =	vunpack.i.l.bf16.f32 v50  }
0xbe: {  	v22 =	vunpack.i.l.bf16.f32 v11;
	v15 =	vmovc v2;
	[tilespmem:s24+$0xA0] =	vst v5;
	v5 =	vadd.f32 v18, v9;
	v9 =	vunpack.i.u.bf16.f32 v11;
	v11 =	vld [tilespmem:$0x1FF80]  }
0xbf: {  	[tilespmem:$0x1FFD0] =	vst v15;
	v15 =	vmul.bf16 v51, v59;
	v59 =	vld [tilespmem:$0x1FFE0];
	_ =	sdelay $0x2  }
0xc0: {  	(erf) = vrcp.f32 v26;
	v26 =	vmov v24;
	v24, _, _ =	vpop (xrf2)  }
0xc1: {  	v57, _, _ =	vpop (xrf2)  }
0xc2: {  	v51 =	vmax.f32 v57, $9.999999960e-13;
	v11 =	vmul.f32 v4, v11;
	v57 =	vmov v59;
	v59 =	vld [tilespmem:$0x1FF90];
	_ =	sdelay $0x1  }
0xc3: {  	[tilespmem:s24+$0x80] =	vst v11;
	v11 =	vld [tilespmem:$0x1FF70];
	_ =	sdelay $0x2  }
0xc4: {  	[tilespmem:$0x1FF70] =	vst v57;
	v57 =	vmov v8;
	v59 =	vmul.f32 v4, v59  }
0xc5: {  	[tilespmem:$0x1FFE0] =	vst v57  }
0xc6: {  	v8 =	vmovc v14;
	v57 =	vunpack.i.l.bf16.f32 v15;
	v11 =	vmul.f32 v4, v11;
	[tilespmem:s24+$0xB0] =	vst v59;
	v59 =	vunpack.i.u.bf16.f32 v15;
	v15 =	vld [tilespmem:$0x1FFF0]  }
0xc7: {  	[tilespmem:$0x1FF90] =	vst v8;
	v8 =	vld [tilespmem:$0x1FFA0]  }
0xc8: {  	[tilespmem:s24+$0x90] =	vst v11;
	v11 =	vld [tilespmem:$0x1FFC0]  }
0xc9: {  	v42 =	vmov v48;
	v48 =	vmul.bf16 v61, v20;
	v24 =	vmax.f32 v24, $9.999999960e-13  }
0xca: {  	v20 =	vunpack.i.u.bf16.f32 v3;
	v17 =	vbroadcast v24, $0xF;
	v24 =	vunpack.i.l.bf16.f32 v3;
	v3 =	vld [tilespmem:s2+$0xFFFFE060];
	v63 =	vpop (erf)  }
0xcb: {  	v44 =	vmov v54;
	v56 =	vunpack.i.u.bf16.f32 v50;
	v15 =	vmul.f32 v63, v15  }
0xcc: {  	[tilespmem:s24+$0x30] =	vst v25;
	v54 =	vunpack.i.u.bf16.f32 v55;
	v49 =	vmovc v49;
	v2 =	vadd.f32 v5, v56;
	v8 =	vmul.f32 v4, v8  }
0xcd: {  	v25 =	vmovc v30;
	v62 =	vld [tilespmem:s2+$0xB0];
	v55 =	vunpack.i.l.bf16.f32 v55;
	v19 =	vunpack.i.u.bf16.f32 v1;
	[tilespmem:$0x1FF80] =	vst v49;
	v4 =	vmul.f32 v4, v11  }
0xce: {  	s22 =	sadd.s32 $0x4, s22;
	s16 =	sadd.s32 $0x200, s16;
	v13 =	vmov v13;
	v1, _, _ =	vpop (xrf2);
	v5 =	vadd.f32 v24, v20;
	v2 =	vadd.f32 v55, v2;
	[tilespmem:s24+$0xD0] =	vst v8;
	v8 =	vld [tilespmem:$0x1FF20]  }
0xcf: {  	p1 =	slt.u32 s22, $0x7C;
	v3 =	vmul.bf16 v47, v3;
	v47 =	vunpack.i.u.bf16.f32 v48;
	v48 =	vunpack.i.l.bf16.f32 v48;
	v11 =	vmovc v58;
	[tilespmem:s16+$0xFFFFFF00] =	vst v15;
	v15 =	vmovc v0;
	v0 =	vld [tilespmem:$0x1FF40]  }
.Ltmp2:
0xd0: {  	v61 =	vld [tilespmem:s2+$0xFFFFE0B0];
	(erf) = vrcp.f32 v17;
	v17 =	vmovc v27;
	v5 =	vadd.f32 v48, v5;
	[tilespmem:$0x1FFA0] =	vst v11;
	v11 =	vadd.f32 v2, v54;
	(pc) =	sbr.rel @p1 .LBB2_3-.Ltmp2, $4  }
0xd1: {  	v27 =	vmovc v18;
	v50 =	vunpack.i.u.bf16.f32 v3;
	v49 =	vunpack.i.l.bf16.f32 v3;
	v3 =	vld [tilespmem:s2+$0xFFFFE0A0];
	v58 =	vbroadcast v51, $0xF;
	[tilespmem:s24+$0xF0] =	vst v4;
	v4 =	vmovc v16  }
0xd2: {  	v18 =	vmovc v21;
	v21 =	vmov v28;
	v28 =	vld [tilespmem:$0x1FF50];
	v5 =	vadd.f32 v5, v47;
	[tilespmem:$0x1FFC0] =	vst v4;
	v4 =	vadd.f32 v57, v11  }
0xd3: {  	v30 =	vunpack.i.l.bf16.f32 v52;
	v14 =	vmovc v19;
	v19 =	vmovc v25;
	v25 =	vld [tilespmem:$0x1FF30];
	[tilespmem:$0x1FFF0] =	vst v13;
	v51 =	vmul.f32 v63, v8;
	(erf) = vrcp.f32 v58  }
0xd4: {  	v2 =	vld [tilespmem:s2+$0xA0];
	s2 =	sadd.s32 $0x100, s2;
	s24 =	smov.u32 s16;
	v58 =	vadd.f32 v49, v5;
	v16 =	vmovc v9;
	v4 =	vadd.f32 v4, v59;
	v5 =	vmul.f32 v63, v0  }
0xd5: {  	_ =	sdelay $0x2  }
0xd6: {  	v0 =	vmul.f32 v63, v25  }
0xd7: {  	v13 =	vmul.f32 v63, v35;
	[tilespmem:s24+$0xFFFFFF20] =	vst v5  }
0xd8: {  	v35 =	vmul.f32 v63, v33;
	[tilespmem:s24+$0xFFFFFF30] =	vst v0  }
0xd9: {  	v8 =	vmul.f32 v63, v37;
	v9 =	vpop (erf);
	v0 =	vld [tilespmem:$0x1FF60];
	[tilespmem:s24+$0xFFFFFF40] =	vst v13  }
0xda: {  	v25 =	vadd.f32 v53, v10;
	v53 =	vmul.f32 v9, v41;
	[tilespmem:s24+$0xFFFFFF70] =	vst v35  }
0xdb: {  	v11 =	vmul.f32 v9, v39;
	[tilespmem:s24+$0xFFFFFF60] =	vst v8  }
0xdc: {  	v13 =	vmul.f32 v9, v17;
	[tilespmem:s24+$0x0] =	vst v53  }
0xdd: {  	v17 =	vmul.f32 v9, v28;
	[tilespmem:s24+$0x60] =	vst v11  }
0xde: {  	v28 =	vmul.f32 v9, v32;
	[tilespmem:s24+$0x20] =	vst v13  }
0xdf: {  	v32 =	vmul.f32 v9, v31;
	v33 =	vpop (erf);
	[tilespmem:s24+$0x40] =	vst v17  }
0xe0: {  	[tilespmem:s24+$0x50] =	vst v28;
	v35 =	vmul.f32 v33, v42  }
0xe1: {  	[tilespmem:s24+$0x30] =	vst v32;
	v37 =	vmul.f32 v33, v43  }
0xe2: {  	v41 =	vmul.f32 v33, v45;
	[tilespmem:s24+$0xFFFFFFA0] =	vst v35  }
0xe3: {  	v1 =	vmax.f32 v1, $9.999999960e-13;
	v43 =	vmul.f32 v33, v38;
	[tilespmem:s24+$0xFFFFFFC0] =	vst v37  }
0xe4: {  	(xrf2) =	vadd.scan.msk.f32 $0xffff, v4;
	v1 =	vbroadcast v1, $0xF;
	v45 =	vmul.f32 v33, v36;
	[tilespmem:s24+$0xFFFFFFD0] =	vst v41  }
0xe5: {  	v2 =	vmul.bf16 v2, v3;
	[tilespmem:s24+$0xFFFFFFE0] =	vst v43;
	v0 =	vmul.f32 v63, v0  }
0xe6: {  	v53 =	vmul.f32 v33, v21;
	[tilespmem:s24+$0xFFFFFFB0] =	vst v45  }
0xe7: {  	(erf) = vrcp.f32 v1;
	v1 =	vmul.f32 v33, v26;
	[tilespmem:s24+$0xFFFFFF50] =	vst v0;
	v0 =	vunpack.i.l.bf16.f32 v2  }
0xe8: {  	[tilespmem:s24+$0xFFFFFF90] =	vst v53;
	v3 =	vadd.f32 v0, v25;
	v25 =	vmul.f32 v9, v44  }
0xe9: {  	[tilespmem:s24+$0xFFFFFF80] =	vst v1;
	v9 =	vmul.f32 v9, v29  }
0xea: {  	v44 =	vmul.f32 v33, v34;
	[tilespmem:s24+$0x70] =	vst v25  }
0xeb: {  	[tilespmem:s24+$0x10] =	vst v9  }
0xec: {  	[tilespmem:s24+$0xFFFFFFF0] =	vst v44  }
0xed: {  	v63 =	vmul.bf16 v62, v61;
	v2 =	vunpack.i.u.bf16.f32 v2;
	v62 =	vld [tilespmem:$0x1FFB0]  }
0xee: {  	v42, _, _ =	vpop (xrf2);
	v3 =	vadd.f32 v3, v2  }
0xef: {  	v39 =	vadd.f32 v58, v50;
	v4 =	vmax.f32 v42, $9.999999960e-13;
	v8 =	vunpack.i.l.bf16.f32 v63  }
0xf0: {  	v58 =	vadd.f32 v60, v14;
	v4 =	vbroadcast v4, $0xF;
	v60 =	vpop (erf);
	v3 =	vadd.f32 v8, v3  }
0xf1: {  	v5 =	vunpack.i.u.bf16.f32 v63;
	v13 =	vmul.f32 v60, v19  }
0xf2: {  	(erf) = vrcp.f32 v4;
	[tilespmem:s24+$0xFFFFFF10] =	vst v51;
	v3 =	vadd.f32 v3, v5;
	v4 =	vmul.f32 v60, v62  }
0xf3: {  	v19 =	vmul.f32 v60, v18;
	[tilespmem:s24+$0xC0] =	vst v13  }
0xf4: {  	(xrf2) =	vadd.scan.msk.f32 $0xffff, v3;
	[tilespmem:s24+$0xE0] =	vst v4  }
0xf5: {  	v13 =	vld [tilespmem:$0x1FF80];
	[tilespmem:s24+$0xA0] =	vst v19  }
0xf6: {  	v11 =	vld [tilespmem:$0x1FF70];
	_ =	sdelay $0x3  }
0xf7: {  	v13 =	vmul.f32 v60, v13  }
0xf8: {  	v11 =	vmul.f32 v60, v11  }
0xf9: {  	[tilespmem:s24+$0x80] =	vst v13  }
0xfa: {  	v3 =	vadd.f32 v46, v39;
	v21 =	vld [tilespmem:$0x1FF90];
	[tilespmem:s24+$0x90] =	vst v11  }
0xfb: {  	v63, _, _ =	vpop (xrf2);
	v11 =	vld [tilespmem:$0x1FFC0]  }
0xfc: {  	v3 =	vadd.f32 v3, v40;
	v17 =	vmax.f32 v63, $9.999999960e-13  }
0xfd: {  	v4 =	vbroadcast v17, $0xF  }
0xfe: {  	v61 =	vadd.f32 v30, v58;
	(xrf2) =	vadd.scan.msk.f32 $0xffff, v3  }
0xff: {  	v9 =	vunpack.i.u.bf16.f32 v52;
	(erf) = vrcp.f32 v4;
	v4 =	vmul.f32 v60, v21  }
0x100: {  	v1 =	vadd.f32 v61, v9;
	v13 =	vld [tilespmem:$0x1FFA0];
	v11 =	vmul.f32 v60, v11  }
0x101: {  	[tilespmem:s24+$0xB0] =	vst v4  }
0x102: {  	v1 =	vadd.f32 v22, v1;
	[tilespmem:s24+$0xF0] =	vst v11  }
0x103: {  	v26 =	vld [tilespmem:$0x1FFF0]  }
0x104: {  	v1 =	vadd.f32 v1, v16  }
0x105: {  	v25 =	vpop (erf);
	v3 =	vmul.f32 v60, v13  }
0x106: {  	v29 =	vmul.f32 v25, v27;
	(xrf2) =	vadd.scan.msk.f32 $0xffff, v1  }
0x107: {  	s2 =	sadd.s32 $0x200, s16;
	v32 =	vmul.f32 v25, v56;
	[tilespmem:s24+$0xD0] =	vst v3  }
0x108: {  	v28, _, _ =	vpop (xrf2);
	[tilespmem:s2+$0xFFFFFF20] =	vst v29;
	v1 =	vmul.f32 v25, v26  }
0x109: {  	v33 =	vmul.f32 v25, v55;
	v31 =	vmax.f32 v28, $9.999999960e-13;
	[tilespmem:s2+$0xFFFFFF30] =	vst v32  }
0x10a: {  	v34 =	vmul.f32 v25, v54;
	[tilespmem:s2+$0xFFFFFF00] =	vst v1;
	v1 =	vbroadcast v31, $0xF  }
0x10b: {  	v35 =	vmul.f32 v25, v59;
	[tilespmem:s2+$0xFFFFFF40] =	vst v33  }
0x10c: {  	v36 =	vmul.f32 v25, v57;
	[tilespmem:s2+$0xFFFFFF50] =	vst v34;
	(erf) = vrcp.f32 v1  }
0x10d: {  	v57 =	vmul.f32 v25, v15;
	[tilespmem:s2+$0xFFFFFF70] =	vst v35;
	v37 =	vpop (erf)  }
0x10e: {  	[tilespmem:s2+$0xFFFFFF60] =	vst v36;
	v38 =	vmul.f32 v37, v12  }
0x10f: {  	[tilespmem:s2+$0xFFFFFF10] =	vst v57;
	v39 =	vmul.f32 v37, v23  }
0x110: {  	v41, _, _ =	vpop (xrf2);
	v0 =	vmul.f32 v37, v0;
	[tilespmem:s2+$0x0] =	vst v38  }
0x111: {  	v42 =	vmax.f32 v41, $9.999999960e-13;
	v8 =	vmul.f32 v37, v8;
	[tilespmem:s2+$0x20] =	vst v39  }
0x112: {  	v43 =	vmul.f32 v37, v5;
	[tilespmem:s2+$0x40] =	vst v0;
	v0 =	vbroadcast v42, $0xF  }
0x113: {  	v2 =	vmul.f32 v37, v2;
	[tilespmem:s2+$0x60] =	vst v8  }
0x114: {  	v44 =	vmul.f32 v37, v10;
	[tilespmem:s2+$0x70] =	vst v43;
	(erf) = vrcp.f32 v0  }
0x115: {  	v3 =	vmul.f32 v37, v7;
	[tilespmem:s2+$0x50] =	vst v2;
	v45 =	vpop (erf)  }
0x116: {  	[tilespmem:s2+$0x30] =	vst v44;
	v48 =	vmul.f32 v45, v48  }
0x117: {  	[tilespmem:s2+$0x10] =	vst v3;
	v51 =	vmul.f32 v45, v49  }
0x118: {  	v52 =	vmul.f32 v45, v50;
	[tilespmem:s2+$0xFFFFFFA0] =	vst v48  }
0x119: {  	v53 =	vmul.f32 v45, v46;
	[tilespmem:s2+$0xFFFFFFC0] =	vst v51  }
0x11a: {  	v54 =	vmul.f32 v45, v40;
	[tilespmem:s2+$0xFFFFFFD0] =	vst v52  }
0x11b: {  	v55 =	vmul.f32 v45, v47;
	[tilespmem:s2+$0xFFFFFFE0] =	vst v53  }
0x11c: {  	v56 =	vmul.f32 v45, v20;
	[tilespmem:s2+$0xFFFFFFF0] =	vst v54  }
0x11d: {  	v0 =	vmul.f32 v45, v24;
	v58 =	vpop (erf);
	[tilespmem:s2+$0xFFFFFFB0] =	vst v55  }
0x11e: {  	v59 =	vmul.f32 v58, v22;
	[tilespmem:s2+$0xFFFFFF90] =	vst v56  }
0x11f: {  	v60 =	vmul.f32 v58, v30;
	[tilespmem:s2+$0xFFFFFF80] =	vst v0  }
0x120: {  	v61 =	vmul.f32 v58, v6;
	[tilespmem:s2+$0xE0] =	vst v59  }
0x121: {  	[tilespmem:s2+$0xC0] =	vst v60  }
0x122: {  	v2 =	vld [tilespmem:$0x1FFD0];
	[tilespmem:s2+$0xA0] =	vst v61  }
0x123: {  	v0 =	vld [tilespmem:$0x1FFE0]  }
0x124: {  	v62 =	vmul.f32 v58, v14  }
0x125: {  	v63 =	vmul.f32 v58, v16  }
0x126: {  	p1 =	sne.s32 s0, $0xF;
	v1 =	vmul.f32 v58, v9;
	[tilespmem:s2+$0xB0] =	vst v62  }
.Ltmp3:
0x127: {  	[tilespmem:s2+$0xF0] =	vst v63;
	v2 =	vmul.f32 v58, v2;
	(pc) =	sbr.rel @p1 .LBB2_6-.Ltmp3, $4  }
0x128: {  	[tilespmem:s2+$0xD0] =	vst v1;
	v0 =	vmul.f32 v58, v0  }
0x129: {  	s9 =	sshll.u32 s0, $0xC;
	[tilespmem:s2+$0x80] =	vst v2  }
0x12a: {  	s16 =	sadd.s32 s9, s14;
	[tilespmem:s2+$0x90] =	vst v0  }
0x12b: {  	[hbm4b:s16+s5] =	stream.linear.scatter [tilespmem:s26], [sflag:$0x3], $0x4000, $0x38;
	[tilespmem:$0x1B000] =	vst v63  }
.Ltmp4:
0x12c: {  	(pc) =	sbr.rel .LBB2_7-.Ltmp4, $4  }
0x12d: {  	_ = 	snop  }
0x12e: {  	_ =	swait.ge [sflag:s28], $0x4000  }
0x12f: {  	[sflag:s28] =	ssyncset.done $0x0  }
0x130: {  	[sflag:s28] =	ssyncadd.s32 $0xFFFFC000  }
.LBB2_6:
0x131: {  	s2 =	sshrl.u32 s1, $0x2  }
.Ltmp5:
0x132: {  	s2 =	sadd.s32 $0x9200, s2;
	(pc) =	sbr.rel @p0 .LBB2_8-.Ltmp5, $4  }
0x133: {  	[tilespmem:s19], [sflag:$0x1] =	stream.indirect.gather [spmem:s4], $0x40, s2, s23, $0xb8;
	[tilespmem:$0x1B000] =	vst v63  }
0x134: {  	_ =	swait.ge [sflag:s28], $0x4000  }
0x135: {  	[sflag:s28] =	ssyncset.done $0x0  }
0x136: {  	[sflag:s28] =	ssyncadd.s32 $0xFFFFC000  }
.LBB2_7:
0x137: {  	_ =	swait.ge [sflag:s29], $0x4000  }
0x138: {  	[sflag:s29] =	ssyncset.done $0x0  }
0x139: {  	[sflag:s29] =	ssyncadd.s32 $0xFFFFC000  }
.LBB2_8:
0x13a: {  	s2 =	simm.s32 $0x11000  }
0x13b: {  	v0 =	vld [tilespmem:s2+$0x0]  }
0x13c: {  	v1 =	vld [tilespmem:s2+$0x70]  }
0x13d: {  	v2 =	vld [tilespmem:s2+$0x10]  }
0x13e: {  	v3 =	vld [tilespmem:s2+$0x90]  }
0x13f: {  	v4 =	vld [tilespmem:s2+$0xFFFFE090]  }
0x140: {  	v5 =	vld [tilespmem:s2+$0xFFFFE010]  }
0x141: {  	v6 =	vld [tilespmem:s2+$0x80]  }
0x142: {  	v7 =	vld [tilespmem:s2+$0x20]  }
0x143: {  	v8 =	vld [tilespmem:s2+$0x50]  }
0x144: {  	v9 =	vld [tilespmem:s2+$0xFFFFE020]  }
0x145: {  	v10 =	vld [tilespmem:s2+$0xFFFFE0E0]  }
0x146: {  	v11 =	vld [tilespmem:s2+$0xFFFFE080]  }
0x147: {  	v12 =	vld [tilespmem:s2+$0x40]  }
0x148: {  	v14 =	vld [tilespmem:s2+$0xC0]  }
0x149: {  	v16 =	vld [tilespmem:s2+$0xF0]  }
0x14a: {  	v15 =	vld [tilespmem:s2+$0xFFFFE0C0]  }
0x14b: {  	v13 =	vld [tilespmem:s2+$0xFFFFE000]  }
0x14c: {  	v18 =	vld [tilespmem:s2+$0xFFFFE040]  }
0x14d: {  	v19 =	vld [tilespmem:s2+$0xFFFFE050]  }
0x14e: {  	v20 =	vld [tilespmem:s2+$0xD0]  }
0x14f: {  	v22 =	vld [tilespmem:s2+$0xE0]  }
0x150: {  	v21 =	vld [tilespmem:s2+$0xFFFFE0D0]  }
0x151: {  	v23 =	vld [tilespmem:s2+$0xFFFFE070]  }
0x152: {  	v24 =	vld [tilespmem:s2+$0xFFFFE0F0];
	v0 =	vmul.bf16 v0, v13  }
0x153: {  	v27 =	vld [tilespmem:s2+$0x60];
	v2 =	vmul.bf16 v2, v5  }
0x154: {  	v6 =	vmul.bf16 v6, v11;
	v11 =	vld [tilespmem:s2+$0x30];
	v49 =	vunpack.i.l.bf16.f32 v0;
	v51 =	vunpack.i.u.bf16.f32 v0  }
0x155: {  	v3 =	vmul.bf16 v3, v4;
	v4 =	vmul.bf16 v7, v9;
	v7 =	vld [tilespmem:s2+$0xFFFFE030];
	v5 =	vadd.f32 v49, v51  }
0x156: {  	v9 =	vld [tilespmem:s2+$0xFFFFE0A0];
	v30 =	vunpack.i.l.bf16.f32 v2  }
0x157: {  	v12 =	vmul.bf16 v12, v18;
	v18 =	vld [tilespmem:s2+$0xB0];
	v29 =	vunpack.i.u.bf16.f32 v6;
	v5 =	vadd.f32 v30, v5  }
0x158: {  	v0 =	vld [tilespmem:s2+$0xFFFFE060];
	v41 =	vunpack.i.l.bf16.f32 v6;
	v25 =	vunpack.i.u.bf16.f32 v2;
	v17 =	vunpack.i.l.bf16.f32 v3  }
0x159: {  	v2 =	vld [tilespmem:s2+$0xA0];
	v26 =	vunpack.i.u.bf16.f32 v3;
	v3 =	vmul.bf16 v14, v15;
	v5 =	vadd.f32 v5, v25  }
0x15a: {  	v14 =	vld [tilespmem:s2+$0xFFFFE0B0];
	v13 =	vunpack.i.l.bf16.f32 v4;
	v28 =	vunpack.i.u.bf16.f32 v4;
	v6 =	vadd.f32 v41, v29  }
0x15b: {  	v15 =	vld [tilespmem:s11+$0x0];
	[tilespmem:$0x1FE80] =	vst v28;
	v4 =	vmul.bf16 v11, v7;
	v7 =	vunpack.i.l.bf16.f32 v3;
	v5 =	vadd.f32 v13, v5  }
0x15c: {  	v35 =	vmov v13;
	v40 =	vld [tilespmem:s11+$0x70];
	v6 =	vadd.f32 v17, v6;
	[tilespmem:$0x1FEA0] =	vst v7;
	v13 =	vunpack.i.u.bf16.f32 v3  }
0x15d: {  	v10 =	vmul.bf16 v22, v10;
	v16 =	vmul.bf16 v16, v24;
	[tilespmem:$0x1FE90] =	vst v13;
	v5 =	vadd.f32 v5, v28  }
0x15e: {  	v37 =	vunpack.i.l.bf16.f32 v4;
	v2 =	vmul.bf16 v2, v9;
	v6 =	vadd.f32 v6, v26;
	v9 =	vld [tilespmem:s11+$0x10]  }
0x15f: {  	v3 =	vmul.bf16 v8, v19;
	v8 =	vunpack.i.u.bf16.f32 v12;
	v46 =	vld [tilespmem:s11+$0x90];
	v5 =	vadd.f32 v37, v5  }
0x160: {  	v11 =	vmul.bf16 v20, v21;
	v21 =	vmovc v8;
	v8 =	vunpack.i.u.bf16.f32 v4;
	v28 =	vunpack.i.l.bf16.f32 v2;
	v4 =	vld [tilespmem:s11+$0xFFFFE090]  }
0x161: {  	v31 =	vmovc v26;
	v26 =	vunpack.i.l.bf16.f32 v12;
	v22 =	vld [tilespmem:s11+$0xFFFFE010];
	v6 =	vadd.f32 v28, v6;
	v5 =	vadd.f32 v5, v8  }
0x162: {  	v32 =	vunpack.i.u.bf16.f32 v2;
	v7 =	vadd.f32 v7, v13;
	v2 =	vmul.bf16 v18, v14;
	v12 =	vld [tilespmem:s11+$0x80]  }
0x163: {  	v18 =	vunpack.i.l.bf16.f32 v11;
	v14 =	vadd.f32 v26, v21;
	v20 =	vld [tilespmem:s11+$0x50];
	(xrf2) =	vadd.scan.msk.f32 $0xffff, v5;
	v5 =	vadd.f32 v6, v32  }
0x164: {  	v33 =	vmovc v8;
	v47 =	vld [tilespmem:s11+$0xFFFFE020];
	v7 =	vadd.f32 v18, v7;
	v39 =	vunpack.i.l.bf16.f32 v2;
	v8 =	vunpack.i.u.bf16.f32 v11  }
0x165: {  	v0 =	vmul.bf16 v27, v0;
	v42 =	vunpack.i.l.bf16.f32 v3;
	v6 =	vld [tilespmem:s11+$0x20];
	[tilespmem:$0x1FEB0] =	vst v8;
	v5 =	vadd.f32 v39, v5  }
0x166: {  	v44 =	vunpack.i.u.bf16.f32 v2;
	v11 =	vadd.f32 v42, v14;
	v7 =	vadd.f32 v7, v8;
	v2 =	vld [tilespmem:s11+$0xFFFFE0E0]  }
0x167: {  	v19 =	vunpack.i.l.bf16.f32 v10;
	v36 =	vunpack.i.u.bf16.f32 v3;
	v27 =	vld [tilespmem:s11+$0x40];
	v3 =	vadd.f32 v5, v44  }
0x168: {  	v14 =	vadd.f32 v11, v36;
	v8 =	vunpack.i.u.bf16.f32 v10;
	v7 =	vadd.f32 v19, v7;
	v5 =	vld [tilespmem:s11+$0xFFFFE080]  }
0x169: {  	v1 =	vmul.bf16 v1, v23;
	v43 =	vunpack.i.l.bf16.f32 v0;
	(xrf2) =	vadd.scan.msk.f32 $0xffff, v3;
	v3 =	vld [tilespmem:s11+$0xC0];
	[tilespmem:$0x1FEC0] =	vst v8  }
0x16a: {  	v10 =	vadd.f32 v43, v14;
	v7 =	vadd.f32 v7, v8;
	v8 =	vunpack.i.l.bf16.f32 v16;
	v14 =	vld [tilespmem:s11+$0xF0]  }
0x16b: {  	v45 =	vunpack.i.u.bf16.f32 v0;
	v0 =	vld [tilespmem:s11+$0xFFFFE0C0];
	[tilespmem:$0x1FED0] =	vst v8  }
0x16c: {  	v38 =	vunpack.i.l.bf16.f32 v1;
	v7 =	vadd.f32 v8, v7;
	v8 =	vunpack.i.u.bf16.f32 v16;
	v24 =	vld [tilespmem:s11+$0xFFFFE000]  }
0x16d: {  	v4 =	vmul.bf16 v46, v4;
	v11 =	vunpack.i.u.bf16.f32 v1;
	v1 =	vadd.f32 v10, v45;
	v16 =	vld [tilespmem:s11+$0xFFFFE040];
	[tilespmem:$0x1FEE0] =	vst v8  }
0x16e: {  	v5 =	vmul.bf16 v12, v5;
	v48 =	vld [tilespmem:s11+$0xFFFFE050]  }
0x16f: {  	v23 =	vunpack.i.l.bf16.f32 v4;
	v1 =	vadd.f32 v38, v1;
	v60 =	vadd.f32 v7, v8;
	v61 =	vld [tilespmem:s11+$0xE0];
	v10, _, _ =	vpop (xrf2)  }
0x170: {  	v62 =	vld [tilespmem:s11+$0x60];
	v7 =	vmax.f32 v10, $9.999999960e-13;
	v12 =	vunpack.i.l.bf16.f32 v5;
	v10 =	vunpack.i.u.bf16.f32 v4  }
0x171: {  	v4 =	vld [tilespmem:s11+$0xFFFFE070];
	v50 =	vbroadcast v7, $0xF;
	v7 =	vunpack.i.u.bf16.f32 v5;
	v0 =	vmul.bf16 v3, v0  }
0x172: {  	v54 =	vmul.bf16 v6, v47;
	v5 =	vld [tilespmem:s11+$0xD0];
	v6 =	vadd.f32 v12, v7  }
0x173: {  	v22 =	vmul.bf16 v9, v22;
	v1 =	vadd.f32 v1, v11;
	v3 =	vld [tilespmem:s11+$0xFFFFE0D0];
	v8 =	vunpack.i.l.bf16.f32 v0  }
0x174: {  	v34 =	vmovc v11;
	v11 =	vunpack.i.u.bf16.f32 v0;
	v53 =	vadd.f32 v23, v6;
	v6 =	vmul.bf16 v27, v16;
	v16 =	vld [tilespmem:s11+$0xFFFFE0F0];
	[tilespmem:$0x1FEF0] =	vst v8  }
0x175: {  	(xrf2) =	vadd.scan.msk.f32 $0xffff, v1;
	v1 =	vmul.bf16 v15, v24;
	(erf) = vrcp.f32 v50;
	[tilespmem:$0x1FF00] =	vst v11  }
0x176: {  	v48 =	vmul.bf16 v20, v48;
	v52 =	vmul.bf16 v61, v2;
	v56 =	vld [tilespmem:s11+$0xFFFFE060]  }
0x177: {  	v13 =	vunpack.i.l.bf16.f32 v1;
	v55 =	vadd.f32 v8, v11;
	v15 =	vunpack.i.u.bf16.f32 v1  }
0x178: {  	[tilespmem:$0x1FF10] =	vst v13;
	v4 =	vmul.bf16 v40, v4;
	v1 =	vmul.bf16 v5, v3;
	v3 =	vadd.f32 v13, v15  }
0x179: {  	v27 =	vunpack.i.l.bf16.f32 v22;
	v20 =	vunpack.i.u.bf16.f32 v6;
	v24 =	vunpack.i.l.bf16.f32 v6;
	v2 =	vld [tilespmem:s11+$0x30]  }
0x17a: {  	v40 =	vunpack.i.u.bf16.f32 v4;
	v3 =	vadd.f32 v27, v3;
	v5 =	vmul.bf16 v14, v16;
	v16 =	vld [tilespmem:s11+$0xFFFFE030]  }
0x17b: {  	v46 =	vunpack.i.l.bf16.f32 v4;
	v4 =	vmul.bf16 v62, v56;
	v56 =	vunpack.i.u.bf16.f32 v22  }
0x17c: {  	v0, _, _ =	vpop (xrf2);
	(xrf2) =	vadd.scan.msk.f32 $0xffff, v60;
	v6 =	vunpack.i.l.bf16.f32 v1;
	v14 =	vunpack.i.u.bf16.f32 v1;
	v1 =	vadd.f32 v3, v56  }
0x17d: {  	v0 =	vmax.f32 v0, $9.999999960e-13;
	v60 =	vadd.f32 v6, v55;
	v55 =	vunpack.i.l.bf16.f32 v54  }
0x17e: {  	v0 =	vbroadcast v0, $0xF;
	v63 =	vadd.f32 v24, v20;
	v1 =	vadd.f32 v55, v1  }
0x17f: {  	v47 =	vunpack.i.u.bf16.f32 v48;
	v54 =	vunpack.i.u.bf16.f32 v54;
	v2 =	vmul.bf16 v2, v16  }
0x180: {  	v48 =	vunpack.i.l.bf16.f32 v48;
	(erf) = vrcp.f32 v0;
	v3, _, _ =	vpop (xrf2);
	v1 =	vadd.f32 v1, v54  }
0x181: {  	v0 =	vadd.f32 v48, v63;
	v3 =	vmax.f32 v3, $9.999999960e-13;
	v58 =	vunpack.i.l.bf16.f32 v2  }
0x182: {  	v22 =	vunpack.i.l.bf16.f32 v5;
	v63 =	vpop (erf);
	v3 =	vbroadcast v3, $0xF;
	v1 =	vadd.f32 v58, v1  }
0x183: {  	v61 =	vld [tilespmem:s11+$0xFFFFE0B0];
	v0 =	vadd.f32 v0, v47;
	v50 =	vunpack.i.u.bf16.f32 v4;
	v51 =	vmul.f32 v63, v51  }
0x184: {  	v62 =	vld [tilespmem:s11+$0xB0];
	v16 =	vunpack.i.u.bf16.f32 v5;
	(erf) = vrcp.f32 v3;
	v3 =	vmul.f32 v63, v49  }
0x185: {  	s24 =	simm.s32 $0x17100;
	v5 =	vmul.f32 v63, v30;
	v59 =	vunpack.i.u.bf16.f32 v2;
	v49 =	vunpack.i.l.bf16.f32 v4;
	v2 =	vld [tilespmem:s11+$0xA0]  }
0x186: {  	s9 =	simm.s32 $0x11200;
	s22 =	simm.s32 $0x17100;
	s2 =	simm.s32 $0x4;
	v30 =	vunpack.i.l.bf16.f32 v52;
	v57 =	vadd.f32 v49, v0;
	[tilespmem:s24+$0xFFFFFF00] =	vst v3;
	v3 =	vld [tilespmem:s11+$0xFFFFE0A0];
	v4 =	vadd.f32 v1, v59;
	v1, _, _ =	vpop (xrf2)  }
.LBB2_9:
0x187: {  	_ =	sdelay $0x1  }
0x188: {  	v0 =	vld [tilespmem:s9+$0x0]  }
0x189: {  	[tilespmem:$0x1FE40] =	vst v15;
	v8 =	vadd.f32 v60, v14;
	v13 =	vmov v56;
	v56 =	vld [tilespmem:s9+$0x70]  }
0x18a: {  	v11 =	vmul.f32 v63, v35;
	v1 =	vmax.f32 v1, $9.999999960e-13;
	[tilespmem:$0x1FE50] =	vst v13;
	v2 =	vmul.bf16 v2, v3;
	v3 =	vld [tilespmem:$0x1FE80]  }
0x18b: {  	v60 =	vld [tilespmem:s9+$0x10];
	v13 =	vadd.f32 v57, v50;
	(xrf2) =	vadd.scan.msk.f32 $0xffff, v4;
	v4 =	vadd.f32 v53, v10;
	[tilespmem:s22+$0xFFFFFF20] =	vst v5  }
0x18c: {  	v9 =	vmovc v54;
	v5 =	vmul.f32 v63, v37;
	v53 =	vld [tilespmem:s9+$0x90];
	v57 =	vunpack.i.u.bf16.f32 v52;
	[tilespmem:s22+$0xFFFFFF40] =	vst v11;
	v25 =	vmul.f32 v63, v25  }
0x18d: {  	v1 =	vbroadcast v1, $0xF;
	v13 =	vadd.f32 v46, v13;
	[tilespmem:$0x1FE80] =	vst v9;
	v9 =	vld [tilespmem:s9+$0xFFFFE090];
	v15 =	vunpack.i.l.bf16.f32 v2  }
0x18e: {  	v54 =	vmul.bf16 v62, v61;
	v61 =	vld [tilespmem:s9+$0x50];
	[tilespmem:s22+$0xFFFFFF30] =	vst v25;
	v25 =	vmul.f32 v63, v33;
	v4 =	vadd.f32 v15, v4  }
0x18f: {  	[tilespmem:$0x1FE60] =	vst v27;
	v2 =	vunpack.i.u.bf16.f32 v2;
	v33 =	vmov v59;
	v52 =	vld [tilespmem:s9+$0xFFFFE010];
	v11 =	vpop (erf);
	v3 =	vmul.f32 v63, v3  }
0x190: {  	[tilespmem:s22+$0xFFFFFF70] =	vst v25;
	v59 =	vpop (erf);
	v62 =	vmul.f32 v11, v32;
	v32 =	vmov v2;
	v4 =	vadd.f32 v4, v2;
	v2 =	vld [tilespmem:s9+$0xC0]  }
0x191: {  	v63 =	vmul.f32 v59, v21;
	v21 =	vmul.f32 v59, v38;
	v38 =	vmov v46;
	v46 =	vld [tilespmem:s9+$0xFFFFE0F0];
	[tilespmem:s22+$0xFFFFFF50] =	vst v3  }
0x192: {  	v35 =	vmovc v55;
	v55 =	vld [tilespmem:s9+$0x20];
	[tilespmem:s22+$0xFFFFFF60] =	vst v5;
	v5 =	vmul.f32 v11, v41;
	v41 =	vmul.f32 v11, v17;
	v17 =	vmov v15  }
0x193: {  	v27 =	vmov v23;
	v23 =	vld [tilespmem:s9+$0xFFFFE020];
	[tilespmem:$0x1FE70] =	vst v17  }
0x194: {  	(erf) = vrcp.f32 v1;
	v1 =	vld [tilespmem:s9+$0xFFFFE000];
	[tilespmem:s22+$0xFFFFFF10] =	vst v51  }
0x195: {  	v8 =	vadd.f32 v30, v8;
	v3 =	vld [tilespmem:s9+$0x80];
	v17 =	vmul.f32 v11, v39;
	[tilespmem:s22+$0x0] =	vst v5  }
0x196: {  	v37 =	vmovc v58;
	v58 =	vunpack.i.l.bf16.f32 v54;
	v54 =	vunpack.i.u.bf16.f32 v54;
	v29 =	vmul.f32 v11, v29;
	v15 =	vld [tilespmem:s9+$0xFFFFE0E0];
	[tilespmem:s22+$0x20] =	vst v41  }
0x197: {  	v25 =	vmul.f32 v11, v31;
	v4 =	vadd.f32 v58, v4;
	v5 =	vmul.f32 v11, v28;
	v41 =	vld [tilespmem:s9+$0xFFFFE080];
	[tilespmem:s22+$0x60] =	vst v17  }
0x198: {  	v9 =	vmul.bf16 v53, v9;
	v53, _, _ =	vpop (xrf2);
	v39 =	vmov v58;
	v58 =	vld [tilespmem:s9+$0xFFFFE040];
	v11 =	vmul.f32 v11, v44;
	[tilespmem:s22+$0x50] =	vst v62  }
0x199: {  	v42 =	vmul.f32 v59, v42;
	v4 =	vadd.f32 v4, v54;
	v28 =	vmax.f32 v53, $9.999999960e-13;
	v62 =	vld [tilespmem:s9+$0xFFFFE0C0];
	[tilespmem:s22+$0x40] =	vst v5  }
0x19a: {  	v8 =	vadd.f32 v8, v57;
	v13 =	vadd.f32 v13, v40;
	v31 =	vmovc v10;
	v10 =	vunpack.i.u.bf16.f32 v9;
	v5 =	vld [tilespmem:s9+$0x40];
	[tilespmem:s22+$0x70] =	vst v11  }
0x19b: {  	(xrf2) =	vadd.scan.msk.f32 $0xffff, v4;
	v4 =	vmul.f32 v59, v26;
	v17 =	vmul.f32 v59, v45;
	v11 =	vld [tilespmem:s9+$0xF0];
	[tilespmem:s22+$0xFFFFFFA0] =	vst v42  }
0x19c: {  	v26 =	vbroadcast v28, $0xF;
	[tilespmem:s22+$0x10] =	vst v29;
	(xrf2) =	vadd.scan.msk.f32 $0xffff, v13;
	v28 =	vmovc v20;
	v20 =	vld [tilespmem:s9+$0xFFFFE050];
	v3 =	vmul.bf16 v3, v41  }
0x19d: {  	[tilespmem:s22+$0xFFFFFFD0] =	vst v17;
	v17 =	vmul.f32 v59, v34;
	v34 =	vmovc v40;
	v40 =	vld [tilespmem:s9+$0xE0];
	v55 =	vmul.bf16 v55, v23;
	v23 =	vunpack.i.l.bf16.f32 v9  }
0x19e: {  	v29 =	vmovc v7;
	[tilespmem:s22+$0xFFFFFFE0] =	vst v21;
	v21 =	vld [tilespmem:$0x1FED0];
	v9 =	vmul.f32 v59, v43;
	v41 =	vmovc v12;
	v7 =	vunpack.i.u.bf16.f32 v3;
	v12 =	vunpack.i.l.bf16.f32 v3  }
0x19f: {  	v13 =	vmul.f32 v59, v36;
	v0 =	vmul.bf16 v0, v1;
	v1 =	vld [tilespmem:s9+$0xFFFFE0D0];
	[tilespmem:s22+$0xFFFFFFF0] =	vst v17;
	v3 =	vadd.f32 v12, v7  }
0x1a0: {  	v8 =	vadd.f32 v22, v8;
	[tilespmem:s22+$0xFFFFFFC0] =	vst v9;
	v9 =	vld [tilespmem:s9+$0xD0]  }
0x1a1: {  	v53 =	vadd.f32 v23, v3;
	v3 =	vmul.bf16 v5, v58;
	v5 =	vld [tilespmem:s9+$0xFFFFE070];
	[tilespmem:s22+$0xFFFFFFB0] =	vst v13  }
0x1a2: {  	v8 =	vadd.f32 v8, v16;
	v45 =	vmov v50;
	v2 =	vmul.bf16 v2, v62;
	[tilespmem:s22+$0xFFFFFF90] =	vst v63  }
0x1a3: {  	v50 =	vmul.bf16 v60, v52;
	v36 =	vmov v47;
	v11 =	vmul.bf16 v11, v46;
	v47 =	vld [tilespmem:s9+$0x60];
	[tilespmem:s22+$0xFFFFFF80] =	vst v4;
	v4 =	vpop (erf)  }
0x1a4: {  	(xrf2) =	vadd.scan.msk.f32 $0xffff, v8;
	v8 =	vunpack.i.u.bf16.f32 v2;
	v2 =	vunpack.i.l.bf16.f32 v2;
	v59 =	vmul.f32 v4, v21  }
0x1a5: {  	v51 =	vld [tilespmem:s9+$0x30];
	v52 =	vmul.bf16 v40, v15;
	v13 =	vunpack.i.l.bf16.f32 v0;
	v1 =	vmul.bf16 v9, v1  }
0x1a6: {  	v0 =	vunpack.i.u.bf16.f32 v0;
	v9 =	vmovc v22;
	v15 =	vmul.f32 v4, v19;
	[tilespmem:s22+$0xE0] =	vst v59;
	v59 =	vld [tilespmem:s9+$0xFFFFE030];
	v5 =	vmul.bf16 v56, v5  }
0x1a7: {  	v43 =	vmovc v49;
	v49 =	vadd.f32 v2, v8;
	[tilespmem:$0x1FED0] =	vst v9;
	v9 =	vadd.f32 v13, v0;
	v22 =	vunpack.i.l.bf16.f32 v1  }
0x1a8: {  	v21 =	vmovc v6;
	v6 =	vmovc v22;
	v40 =	vunpack.i.u.bf16.f32 v5;
	v46 =	vunpack.i.l.bf16.f32 v5;
	v5 =	vmul.f32 v4, v18  }
0x1a9: {  	[tilespmem:s22+$0xC0] =	vst v15;
	v60 =	vadd.f32 v6, v49;
	v49 =	vld [tilespmem:$0x1FEF0];
	v18 =	vunpack.i.l.bf16.f32 v50  }
0x1aa: {  	v22 =	vunpack.i.l.bf16.f32 v11;
	v15 =	vmovc v2;
	[tilespmem:s22+$0xA0] =	vst v5;
	v5 =	vadd.f32 v18, v9;
	v9 =	vunpack.i.u.bf16.f32 v11;
	v11 =	vld [tilespmem:$0x1FEA0]  }
0x1ab: {  	[tilespmem:$0x1FEF0] =	vst v15;
	v15 =	vmul.bf16 v51, v59;
	v59 =	vld [tilespmem:$0x1FF00];
	_ =	sdelay $0x2  }
0x1ac: {  	(erf) = vrcp.f32 v26;
	v26 =	vmov v24;
	v24, _, _ =	vpop (xrf2)  }
0x1ad: {  	v58, _, _ =	vpop (xrf2)  }
0x1ae: {  	v51 =	vmax.f32 v58, $9.999999960e-13;
	v11 =	vmul.f32 v4, v11;
	v58 =	vmov v59;
	v59 =	vld [tilespmem:$0x1FEB0];
	_ =	sdelay $0x1  }
0x1af: {  	[tilespmem:s22+$0x80] =	vst v11;
	v11 =	vld [tilespmem:$0x1FE90];
	_ =	sdelay $0x2  }
0x1b0: {  	[tilespmem:$0x1FE90] =	vst v58;
	v58 =	vmov v8;
	v59 =	vmul.f32 v4, v59  }
0x1b1: {  	[tilespmem:$0x1FF00] =	vst v58  }
0x1b2: {  	v8 =	vmovc v14;
	v58 =	vunpack.i.l.bf16.f32 v15;
	v11 =	vmul.f32 v4, v11;
	[tilespmem:s22+$0xB0] =	vst v59;
	v59 =	vunpack.i.u.bf16.f32 v15;
	v15 =	vld [tilespmem:$0x1FF10]  }
0x1b3: {  	[tilespmem:$0x1FEB0] =	vst v8;
	v8 =	vld [tilespmem:$0x1FEC0]  }
0x1b4: {  	[tilespmem:s22+$0x90] =	vst v11;
	v11 =	vld [tilespmem:$0x1FEE0]  }
0x1b5: {  	v42 =	vmov v48;
	v48 =	vmul.bf16 v61, v20;
	v24 =	vmax.f32 v24, $9.999999960e-13  }
0x1b6: {  	v20 =	vunpack.i.u.bf16.f32 v3;
	v17 =	vbroadcast v24, $0xF;
	v24 =	vunpack.i.l.bf16.f32 v3;
	v3 =	vld [tilespmem:s9+$0xFFFFE060];
	v63 =	vpop (erf)  }
0x1b7: {  	v44 =	vmov v54;
	v56 =	vunpack.i.u.bf16.f32 v50;
	v15 =	vmul.f32 v63, v15  }
0x1b8: {  	[tilespmem:s22+$0x30] =	vst v25;
	v54 =	vunpack.i.u.bf16.f32 v55;
	v49 =	vmovc v49;
	v2 =	vadd.f32 v5, v56;
	v8 =	vmul.f32 v4, v8  }
0x1b9: {  	v25 =	vmovc v30;
	v62 =	vld [tilespmem:s9+$0xB0];
	v55 =	vunpack.i.l.bf16.f32 v55;
	v19 =	vunpack.i.u.bf16.f32 v1;
	[tilespmem:$0x1FEA0] =	vst v49;
	v4 =	vmul.f32 v4, v11  }
0x1ba: {  	s2 =	sadd.s32 $0x4, s2;
	s24 =	sadd.s32 $0x200, s24;
	v13 =	vmov v13;
	v1, _, _ =	vpop (xrf2);
	v5 =	vadd.f32 v24, v20;
	v2 =	vadd.f32 v55, v2;
	[tilespmem:s22+$0xD0] =	vst v8;
	v8 =	vld [tilespmem:$0x1FE40]  }
0x1bb: {  	p0 =	slt.u32 s2, $0x7C;
	v3 =	vmul.bf16 v47, v3;
	v47 =	vunpack.i.u.bf16.f32 v48;
	v48 =	vunpack.i.l.bf16.f32 v48;
	v11 =	vmovc v57;
	[tilespmem:s24+$0xFFFFFF00] =	vst v15;
	v15 =	vmovc v0;
	v0 =	vld [tilespmem:$0x1FE60]  }
.Ltmp6:
0x1bc: {  	v61 =	vld [tilespmem:s9+$0xFFFFE0B0];
	(erf) = vrcp.f32 v17;
	v17 =	vmovc v27;
	v5 =	vadd.f32 v48, v5;
	[tilespmem:$0x1FEC0] =	vst v11;
	v11 =	vadd.f32 v2, v54;
	(pc) =	sbr.rel @p0 .LBB2_9-.Ltmp6, $4  }
0x1bd: {  	v27 =	vmovc v18;
	v50 =	vunpack.i.u.bf16.f32 v3;
	v49 =	vunpack.i.l.bf16.f32 v3;
	v3 =	vld [tilespmem:s9+$0xFFFFE0A0];
	v57 =	vbroadcast v51, $0xF;
	[tilespmem:s22+$0xF0] =	vst v4;
	v4 =	vmovc v16  }
0x1be: {  	v18 =	vmovc v21;
	v21 =	vmov v28;
	v28 =	vld [tilespmem:$0x1FE70];
	v5 =	vadd.f32 v5, v47;
	[tilespmem:$0x1FEE0] =	vst v4;
	v4 =	vadd.f32 v58, v11  }
0x1bf: {  	v30 =	vunpack.i.l.bf16.f32 v52;
	v14 =	vmovc v19;
	v19 =	vmovc v25;
	v25 =	vld [tilespmem:$0x1FE50];
	[tilespmem:$0x1FF10] =	vst v13;
	v51 =	vmul.f32 v63, v8;
	(erf) = vrcp.f32 v57  }
0x1c0: {  	v2 =	vld [tilespmem:s9+$0xA0];
	s9 =	sadd.s32 $0x100, s9;
	s22 =	smov.u32 s24;
	v57 =	vadd.f32 v49, v5;
	v16 =	vmovc v9;
	v4 =	vadd.f32 v4, v59;
	v5 =	vmul.f32 v63, v0  }
0x1c1: {  	_ =	sdelay $0x2  }
0x1c2: {  	v0 =	vmul.f32 v63, v25  }
0x1c3: {  	v13 =	vmul.f32 v63, v35;
	[tilespmem:s22+$0xFFFFFF20] =	vst v5  }
0x1c4: {  	v35 =	vmul.f32 v63, v33;
	[tilespmem:s22+$0xFFFFFF30] =	vst v0  }
0x1c5: {  	v8 =	vmul.f32 v63, v37;
	v9 =	vpop (erf);
	v0 =	vld [tilespmem:$0x1FE80];
	[tilespmem:s22+$0xFFFFFF40] =	vst v13  }
0x1c6: {  	v25 =	vadd.f32 v53, v10;
	v53 =	vmul.f32 v9, v41;
	[tilespmem:s22+$0xFFFFFF70] =	vst v35  }
0x1c7: {  	v11 =	vmul.f32 v9, v39;
	[tilespmem:s22+$0xFFFFFF60] =	vst v8  }
0x1c8: {  	v13 =	vmul.f32 v9, v17;
	[tilespmem:s22+$0x0] =	vst v53  }
0x1c9: {  	v17 =	vmul.f32 v9, v28;
	[tilespmem:s22+$0x60] =	vst v11  }
0x1ca: {  	v28 =	vmul.f32 v9, v32;
	[tilespmem:s22+$0x20] =	vst v13  }
0x1cb: {  	v32 =	vmul.f32 v9, v31;
	v33 =	vpop (erf);
	[tilespmem:s22+$0x40] =	vst v17  }
0x1cc: {  	[tilespmem:s22+$0x50] =	vst v28;
	v35 =	vmul.f32 v33, v42  }
0x1cd: {  	[tilespmem:s22+$0x30] =	vst v32;
	v37 =	vmul.f32 v33, v43  }
0x1ce: {  	v41 =	vmul.f32 v33, v45;
	[tilespmem:s22+$0xFFFFFFA0] =	vst v35  }
0x1cf: {  	v1 =	vmax.f32 v1, $9.999999960e-13;
	v43 =	vmul.f32 v33, v38;
	[tilespmem:s22+$0xFFFFFFC0] =	vst v37  }
0x1d0: {  	(xrf2) =	vadd.scan.msk.f32 $0xffff, v4;
	v1 =	vbroadcast v1, $0xF;
	v45 =	vmul.f32 v33, v36;
	[tilespmem:s22+$0xFFFFFFD0] =	vst v41  }
0x1d1: {  	v2 =	vmul.bf16 v2, v3;
	[tilespmem:s22+$0xFFFFFFE0] =	vst v43;
	v0 =	vmul.f32 v63, v0  }
0x1d2: {  	v53 =	vmul.f32 v33, v21;
	[tilespmem:s22+$0xFFFFFFB0] =	vst v45  }
0x1d3: {  	(erf) = vrcp.f32 v1;
	v1 =	vmul.f32 v33, v26;
	[tilespmem:s22+$0xFFFFFF50] =	vst v0;
	v0 =	vunpack.i.l.bf16.f32 v2  }
0x1d4: {  	[tilespmem:s22+$0xFFFFFF90] =	vst v53;
	v3 =	vadd.f32 v0, v25;
	v25 =	vmul.f32 v9, v44  }
0x1d5: {  	[tilespmem:s22+$0xFFFFFF80] =	vst v1;
	v9 =	vmul.f32 v9, v29  }
0x1d6: {  	v44 =	vmul.f32 v33, v34;
	[tilespmem:s22+$0x70] =	vst v25  }
0x1d7: {  	[tilespmem:s22+$0x10] =	vst v9  }
0x1d8: {  	[tilespmem:s22+$0xFFFFFFF0] =	vst v44  }
0x1d9: {  	v63 =	vmul.bf16 v62, v61;
	v2 =	vunpack.i.u.bf16.f32 v2;
	v62 =	vld [tilespmem:$0x1FED0]  }
0x1da: {  	v42, _, _ =	vpop (xrf2);
	v3 =	vadd.f32 v3, v2  }
0x1db: {  	v39 =	vadd.f32 v57, v50;
	v4 =	vmax.f32 v42, $9.999999960e-13;
	v8 =	vunpack.i.l.bf16.f32 v63  }
0x1dc: {  	v57 =	vadd.f32 v60, v14;
	v4 =	vbroadcast v4, $0xF;
	v60 =	vpop (erf);
	v3 =	vadd.f32 v8, v3  }
0x1dd: {  	v5 =	vunpack.i.u.bf16.f32 v63;
	v13 =	vmul.f32 v60, v19  }
0x1de: {  	(erf) = vrcp.f32 v4;
	[tilespmem:s22+$0xFFFFFF10] =	vst v51;
	v3 =	vadd.f32 v3, v5;
	v4 =	vmul.f32 v60, v62  }
0x1df: {  	v19 =	vmul.f32 v60, v18;
	[tilespmem:s22+$0xC0] =	vst v13  }
0x1e0: {  	(xrf2) =	vadd.scan.msk.f32 $0xffff, v3;
	[tilespmem:s22+$0xE0] =	vst v4  }
0x1e1: {  	v13 =	vld [tilespmem:$0x1FEA0];
	[tilespmem:s22+$0xA0] =	vst v19  }
0x1e2: {  	v11 =	vld [tilespmem:$0x1FE90];
	_ =	sdelay $0x3  }
0x1e3: {  	v13 =	vmul.f32 v60, v13  }
0x1e4: {  	v11 =	vmul.f32 v60, v11  }
0x1e5: {  	[tilespmem:s22+$0x80] =	vst v13  }
0x1e6: {  	v3 =	vadd.f32 v46, v39;
	v21 =	vld [tilespmem:$0x1FEB0];
	[tilespmem:s22+$0x90] =	vst v11  }
0x1e7: {  	v63, _, _ =	vpop (xrf2);
	v11 =	vld [tilespmem:$0x1FEE0]  }
0x1e8: {  	v3 =	vadd.f32 v3, v40;
	v17 =	vmax.f32 v63, $9.999999960e-13  }
0x1e9: {  	v4 =	vbroadcast v17, $0xF  }
0x1ea: {  	v61 =	vadd.f32 v30, v57;
	(xrf2) =	vadd.scan.msk.f32 $0xffff, v3  }
0x1eb: {  	v9 =	vunpack.i.u.bf16.f32 v52;
	(erf) = vrcp.f32 v4;
	v4 =	vmul.f32 v60, v21  }
0x1ec: {  	v1 =	vadd.f32 v61, v9;
	v13 =	vld [tilespmem:$0x1FEC0];
	v11 =	vmul.f32 v60, v11  }
0x1ed: {  	[tilespmem:s22+$0xB0] =	vst v4  }
0x1ee: {  	v1 =	vadd.f32 v22, v1;
	[tilespmem:s22+$0xF0] =	vst v11  }
0x1ef: {  	v26 =	vld [tilespmem:$0x1FF10]  }
0x1f0: {  	v1 =	vadd.f32 v1, v16  }
0x1f1: {  	v25 =	vpop (erf);
	v3 =	vmul.f32 v60, v13  }
0x1f2: {  	v29 =	vmul.f32 v25, v27;
	(xrf2) =	vadd.scan.msk.f32 $0xffff, v1  }
0x1f3: {  	s2 =	sadd.s32 $0x200, s24;
	v32 =	vmul.f32 v25, v56;
	[tilespmem:s22+$0xD0] =	vst v3  }
0x1f4: {  	v28, _, _ =	vpop (xrf2);
	[tilespmem:s2+$0xFFFFFF20] =	vst v29;
	v1 =	vmul.f32 v25, v26  }
0x1f5: {  	v33 =	vmul.f32 v25, v55;
	v31 =	vmax.f32 v28, $9.999999960e-13;
	[tilespmem:s2+$0xFFFFFF30] =	vst v32  }
0x1f6: {  	v34 =	vmul.f32 v25, v54;
	[tilespmem:s2+$0xFFFFFF00] =	vst v1;
	v1 =	vbroadcast v31, $0xF  }
0x1f7: {  	v35 =	vmul.f32 v25, v59;
	[tilespmem:s2+$0xFFFFFF40] =	vst v33  }
0x1f8: {  	v36 =	vmul.f32 v25, v58;
	[tilespmem:s2+$0xFFFFFF50] =	vst v34;
	(erf) = vrcp.f32 v1  }
0x1f9: {  	v57 =	vmul.f32 v25, v15;
	[tilespmem:s2+$0xFFFFFF70] =	vst v35;
	v37 =	vpop (erf)  }
0x1fa: {  	[tilespmem:s2+$0xFFFFFF60] =	vst v36;
	v38 =	vmul.f32 v37, v12  }
0x1fb: {  	[tilespmem:s2+$0xFFFFFF10] =	vst v57;
	v39 =	vmul.f32 v37, v23  }
0x1fc: {  	v41, _, _ =	vpop (xrf2);
	v0 =	vmul.f32 v37, v0;
	[tilespmem:s2+$0x0] =	vst v38  }
0x1fd: {  	v42 =	vmax.f32 v41, $9.999999960e-13;
	v8 =	vmul.f32 v37, v8;
	[tilespmem:s2+$0x20] =	vst v39  }
0x1fe: {  	v43 =	vmul.f32 v37, v5;
	[tilespmem:s2+$0x40] =	vst v0;
	v0 =	vbroadcast v42, $0xF  }
0x1ff: {  	v2 =	vmul.f32 v37, v2;
	[tilespmem:s2+$0x60] =	vst v8  }
0x200: {  	v44 =	vmul.f32 v37, v10;
	[tilespmem:s2+$0x70] =	vst v43;
	(erf) = vrcp.f32 v0  }
0x201: {  	v3 =	vmul.f32 v37, v7;
	[tilespmem:s2+$0x50] =	vst v2;
	v45 =	vpop (erf)  }
0x202: {  	[tilespmem:s2+$0x30] =	vst v44;
	v48 =	vmul.f32 v45, v48  }
0x203: {  	[tilespmem:s2+$0x10] =	vst v3;
	v51 =	vmul.f32 v45, v49  }
0x204: {  	v52 =	vmul.f32 v45, v50;
	[tilespmem:s2+$0xFFFFFFA0] =	vst v48  }
0x205: {  	v53 =	vmul.f32 v45, v46;
	[tilespmem:s2+$0xFFFFFFC0] =	vst v51  }
0x206: {  	v54 =	vmul.f32 v45, v40;
	[tilespmem:s2+$0xFFFFFFD0] =	vst v52  }
0x207: {  	v55 =	vmul.f32 v45, v47;
	[tilespmem:s2+$0xFFFFFFE0] =	vst v53  }
0x208: {  	v56 =	vmul.f32 v45, v20;
	[tilespmem:s2+$0xFFFFFFF0] =	vst v54  }
0x209: {  	v0 =	vmul.f32 v45, v24;
	v58 =	vpop (erf);
	[tilespmem:s2+$0xFFFFFFB0] =	vst v55  }
0x20a: {  	v59 =	vmul.f32 v58, v22;
	[tilespmem:s2+$0xFFFFFF90] =	vst v56  }
0x20b: {  	v60 =	vmul.f32 v58, v30;
	[tilespmem:s2+$0xFFFFFF80] =	vst v0  }
0x20c: {  	v61 =	vmul.f32 v58, v6;
	[tilespmem:s2+$0xE0] =	vst v59  }
0x20d: {  	[tilespmem:s2+$0xC0] =	vst v60  }
0x20e: {  	v2 =	vld [tilespmem:$0x1FEF0];
	[tilespmem:s2+$0xA0] =	vst v61  }
0x20f: {  	v0 =	vld [tilespmem:$0x1FF00]  }
0x210: {  	v62 =	vmul.f32 v58, v14  }
0x211: {  	v63 =	vmul.f32 v58, v16  }
0x212: {  	p0 =	seq.s32 s0, $0xF;
	v1 =	vmul.f32 v58, v9;
	[tilespmem:s2+$0xB0] =	vst v62  }
.Ltmp7:
0x213: {  	[tilespmem:s2+$0xF0] =	vst v63;
	v2 =	vmul.f32 v58, v2;
	(pc) =	sbr.rel @p0 .LBB2_12-.Ltmp7, $4  }
0x214: {  	[tilespmem:s2+$0xD0] =	vst v1;
	v0 =	vmul.f32 v58, v0  }
0x215: {  	[tilespmem:s2+$0x80] =	vst v2  }
0x216: {  	s24 =	sadd.s32 $0x800, s16;
	[tilespmem:s2+$0x90] =	vst v0  }
0x217: {  	[hbm4b:s24+s5] =	stream.linear.scatter [tilespmem:s30], [sflag:$0x4], $0x4000, $0x38;
	[tilespmem:$0x1B000] =	vst v63  }
.Ltmp8:
0x218: {  	(pc) =	sbr.rel .LBB2_2-.Ltmp8, $4  }
0x219: {  	_ = 	snop  }
0x21a: {  	s1 =	sshrl.u32 s1, $0x2  }
0x21b: {  	s0 =	sadd.s32 $0x1, s0;
	s1 =	sadd.s32 $0x9300, s1  }
0x21c: {  	[tilespmem:s25], [sflag:$0x2] =	stream.indirect.gather [spmem:s4], $0x40, s1, s23, $0xb8;
	[tilespmem:$0x1B000] =	vst v63  }
.LBB2_13:
0x21d: {  	_ =	sfence.sel $0x180000  }
0x21e: {  	[bflag:$0x0] =	sbarrier.arrive $0xFFFF  }
0x21f: {  	_ =	strace $0x90000047  }
0x220: {  	s0 =	stileid.u32;
	[bflag:$0x2] =	sbarrier.arrive $0xFFFF  }
0x221: {  	p0 =	sne.s32 s0, $0x0;
	s0 =	rddreg [dreg:$0x4]  }
0x222: {  	s0 =	sadd.s32 @!p0 $0x100000, s0  }
0x223: {  	[sflag:s0] =	ssyncadd.tile.s32 @!p0 $0x1;
	_ =	shalt  }
.Lfunc_end2:
_tile_overlayer_lowered:
.L_overlay_start_2:
0x224: {  	(tag) =	ssettag $0x2  }
0x225: {  	s0 =	rddreg [dreg:$0x0];
	s2 =	stileid.u32  }
0x226: {  	s1 =	rddreg [dreg:$0x1];
	p0 =	sne.s32 s2, $0x0  }
0x227: {  	s3 =	rddreg [dreg:$0x2];
	[bflag:$0x3] =	sbarrier.arrive $0xFFFF;
	s2 =	simm.s32 @!p0 $0x1C05  }
0x228: {  	[timem:s3], [sflag:s2] =	dma.local @!p0 [hbm:s0], s1  }
0x229: {  	s0 =	simm.s32 @!p0 $0x5  }
0x22a: {  	_ =	swait.ge @!p0 [sflag:s0], s1  }
0x22b: {  	s1 =	ssub.s32 @!p0 $0x0, s1;
	[sflag:s0] =	ssyncset.done @!p0 $0x0  }
0x22c: {  	[sflag:s0] =	ssyncadd.s32 @!p0 s1  }
0x22d: {  	[bflag:$0x3] =	sbarrier.arrive $0xFFFF  }
0x22e: {  	_ =	shalt  }

</sc_bundles>
